<compile_context>
chip_gen: v7x
topology: tpu7x:2x2x1
jax: 0.10.2.dev20260603
libtpu: 0.0.44.dev20260713+nightly
codegen_flags: <defaults>
</compile_context>

<pallas_src>
import functools

import jax
import jax.numpy as jnp
from jax import lax
from jax.experimental import pallas as pl
from jax.experimental.pallas import tpu as pltpu
from jax.experimental.pallas import tpu_sc as plsc

M_TILE = 256


def _argmin_body(x_ref, w_ref, w2_ref, idx_ref):
    x = x_ref[...]
    w = w_ref[...]
    cov = lax.dot_general(
        x, w, (((1,), (1,)), ((), ())),
        preferred_element_type=jnp.float32)
    scores = w2_ref[...] - 2.0 * cov
    mn = jnp.min(scores, axis=1, keepdims=True)
    kiota = lax.broadcasted_iota(jnp.int32, scores.shape, 1)
    cand = jnp.where(scores == mn, kiota, jnp.int32(2**30))
    idx_ref[...] = jnp.min(cand, axis=1, keepdims=True)


def _gather_kernel(idx_hbm, table_hbm, val_hbm, vec_hbm, idx_v, rows_v, sem):
    info = plsc.get_sparse_core_info()
    nw = info.num_cores * info.num_subcores
    b = val_hbm.shape[0]
    ch = idx_v.shape[0]
    per_w = b // nw
    wid = lax.axis_index("s") * info.num_cores + lax.axis_index("c")
    for c in range(per_w // ch):
        base = wid * per_w + c * ch
        pltpu.sync_copy(idx_hbm.at[pl.ds(base, ch)], idx_v)
        pltpu.async_copy(table_hbm.at[idx_v], rows_v, sem).wait()
        pltpu.sync_copy(rows_v, val_hbm.at[pl.ds(base, ch)])
        pltpu.sync_copy(rows_v, vec_hbm.at[pl.ds(base, ch)])


def kernel(input, weight):
    B, T, d = input.shape
    K = weight.shape[0]
    M = B * T
    x2d = input.reshape(M, d).astype(jnp.bfloat16)
    w_bf = weight.astype(jnp.bfloat16)
    w2_row = jnp.sum(weight * weight, axis=1).reshape(1, K)

    grid = (M // M_TILE,)
    idx_col = pl.pallas_call(
        _argmin_body,
        grid=grid,
        in_specs=[
            pl.BlockSpec((M_TILE, d), lambda m: (m, 0)),
            pl.BlockSpec((K, d), lambda m: (0, 0)),
            pl.BlockSpec((1, K), lambda m: (0, 0)),
        ],
        out_specs=pl.BlockSpec((M_TILE, 1), lambda m: (m, 0)),
        out_shape=jax.ShapeDtypeStruct((M, 1), jnp.int32),
    )(x2d, w_bf, w2_row)
    idx_flat = idx_col.reshape(M)

    ch = 128
    mesh = plsc.VectorSubcoreMesh(core_axis_name="c", subcore_axis_name="s")
    gather = functools.partial(
        pl.kernel,
        out_type=(jax.ShapeDtypeStruct((M, d), jnp.float32),
                  jax.ShapeDtypeStruct((M, d), jnp.float32)),
        mesh=mesh,
        scratch_types=[
            pltpu.VMEM((ch,), jnp.int32),
            pltpu.VMEM((ch, d), jnp.float32),
            pltpu.SemaphoreType.DMA,
        ],
    )(_gather_kernel)
    values, vectors = gather(idx_flat, weight)
    values = values.reshape(B, T, d)
    vectors = vectors.reshape(B, T, d)

    indices = idx_flat.reshape(B, T)
    return (values, indices, vectors)

# --- scband reference (transcript-rebuilt; emitter-appended) ---
"""Pipeline reference for scband-vqsend-recv-30468497998533 (READ-ONLY COPY).

The authoritative reference and input builder live on the scoring server;
editing this copy changes nothing except your own understanding.
"""

import jax, jax.numpy as jnp
import numpy as np


def setup_inputs(seed: int = 0) -> dict:
    key = jax.random.key(seed)
    k1, k2 = jax.random.split(key)
    inp = {
        "input": jax.random.normal(k1, (16, 1024, 256), dtype=jnp.float32),
        "weight": jax.random.normal(k2, (8192, 256), dtype=jnp.float32),
    }
    return inp


def reference(input, weight):
    # lookup: argmin_k ||z - e_k||^2 = argmin_k (||e_k||^2 - 2 <z, e_k>)
    sqr = jnp.sum(weight * weight, axis=1)              # [K]
    cov = jnp.einsum('btj,kj->btk', input, weight)      # [B, T, K]
    indices = jnp.argmin(sqr - 2.0 * cov, axis=-1)      # [B, T]
    # fetch embeddings (embedding dim already at position -1)
    vectors = jnp.take(weight, indices, axis=0)         # [B, T, d]
    # straight-through estimator output
    values = input + jax.lax.stop_gradient(vectors - input)
    return (values, indices, vectors)

if __name__ == "__main__":
    import jax
    _d = setup_inputs()
    print(jax.jit(kernel)(*tuple(_d.values())))

</pallas_src>

<mosaic_0001>
#map = affine_map<(d0, d1) -> (0)>
#map1 = affine_map<(d0, d1) -> (0, 0)>
module attributes {stable_mosaic.version = 14 : i64} {
  func.func @_gather_kernel(%arg0: i32, %arg1: i32, %arg2: memref<16384xi32, #tpu.memory_space<hbm>>, %arg3: memref<8192x256xf32, #tpu.memory_space<hbm>>, %arg4: memref<16384x256xf32, #tpu.memory_space<hbm>>, %arg5: memref<16384x256xf32, #tpu.memory_space<hbm>>, %arg6: memref<128xi32, #tpu.memory_space<vmem>>, %arg7: memref<128x256xf32, #tpu.memory_space<vmem>>, %arg8: memref<!tpu.dma_semaphore, #tpu.memory_space<semaphore_mem>>) attributes {dimension_semantics = [#tpu.dimension_semantics<core_parallel>, #tpu.dimension_semantics<subcore_parallel>], iteration_bounds = array<i64: 2, 16>, scalar_prefetch = 0 : i64, scratch_operands = 3 : i64, tpu.core_type = #tpu.core_type<sc_vector_subcore>, window_params = [{transform_indices = #map}, {transform_indices = #map1}, {transform_indices = #map1}, {transform_indices = #map1}]} {
    %mul3A = arith.constant 2 : i32
    %mul3A_0 = arith.muli %arg1, %mul3A : i32
    %add3A = arith.addi %mul3A_0, %arg0 : i32
    %mul3A_1 = arith.constant 512 : i32
    %mul3A_2 = arith.muli %add3A, %mul3A_1 : i32
    %add3A_3 = arith.constant 0 : i32
    %add3A_4 = arith.addi %mul3A_2, %add3A_3 : i32
    "tpu.region"() ({
      %run_scoped3A = tpu.sem_alloc : memref<!tpu.dma_semaphore, #tpu.memory_space<semaphore_mem>>
      %dma_start3A_39 = tpu.memref_slice %arg2[%add3A_4] : memref<16384xi32, #tpu.memory_space<hbm>> -> memref<128xi32, #tpu.memory_space<hbm>>
      %dma_start3A_40 = tpu.memref_slice %arg2[%add3A_4] : memref<16384xi32, #tpu.memory_space<hbm>> -> memref<128xi32, #tpu.memory_space<hbm>>
      tpu.enqueue_dma source(%dma_start3A_40 : memref<128xi32, #tpu.memory_space<hbm>>) target(%arg6 : memref<128xi32, #tpu.memory_space<vmem>>) target_semaphore(%run_scoped3A : memref<!tpu.dma_semaphore, #tpu.memory_space<semaphore_mem>>)
      %dma_wait3A_41 = tpu.memref_slice %arg2[%add3A_4] : memref<16384xi32, #tpu.memory_space<hbm>> -> memref<128xi32, #tpu.memory_space<hbm>>
      %dma_wait3A_42 = tpu.memref_slice %arg2[%add3A_4] : memref<16384xi32, #tpu.memory_space<hbm>> -> memref<128xi32, #tpu.memory_space<hbm>>
      tpu.wait_dma2 semaphore(%run_scoped3A : memref<!tpu.dma_semaphore, #tpu.memory_space<semaphore_mem>>) src(%dma_wait3A_42 : memref<128xi32, #tpu.memory_space<hbm>>) dst(%arg6 : memref<128xi32, #tpu.memory_space<vmem>>)
      tpu.yield
    }) : () -> ()
    %dma_start3A = arith.constant 0 : i32
    %dma_start3A_5 = arith.constant 0 : i32
    %dma_start3A_6 = tpu.memref_slice %arg3[%dma_start3A, %dma_start3A_5] : memref<8192x256xf32, #tpu.memory_space<hbm>> -> memref<8192x256xf32, #tpu.memory_space<hbm>>
    tpu.enqueue_indirect_dma source(%dma_start3A_6 : memref<8192x256xf32, #tpu.memory_space<hbm>>) target(%arg7 : memref<128x256xf32, #tpu.memory_space<vmem>>) offsets(%arg6 : memref<128xi32, #tpu.memory_space<vmem>>) semaphore(%arg8 : memref<!tpu.dma_semaphore, #tpu.memory_space<semaphore_mem>>)
    %dma_wait3A = arith.constant 0 : i32
    %dma_wait3A_7 = arith.constant 0 : i32
    %dma_wait3A_8 = tpu.memref_slice %arg3[%dma_wait3A, %dma_wait3A_7] : memref<8192x256xf32, #tpu.memory_space<hbm>> -> memref<8192x256xf32, #tpu.memory_space<hbm>>
    tpu.wait_indirect_dma semaphore(%arg8 : memref<!tpu.dma_semaphore, #tpu.memory_space<semaphore_mem>>) src(%dma_wait3A_8 : memref<8192x256xf32, #tpu.memory_space<hbm>>) dst(%arg7 : memref<128x256xf32, #tpu.memory_space<vmem>>)
    "tpu.region"() ({
      %run_scoped3A = tpu.sem_alloc : memref<!tpu.dma_semaphore, #tpu.memory_space<semaphore_mem>>
      %dma_start3A_39 = arith.constant 0 : i32
      %dma_start3A_40 = tpu.memref_slice %arg4[%add3A_4, %dma_start3A_39] : memref<16384x256xf32, #tpu.memory_space<hbm>> -> memref<128x256xf32, #tpu.memory_space<hbm>>
      %dma_start3A_41 = arith.constant 0 : i32
      %dma_start3A_42 = tpu.memref_slice %arg4[%add3A_4, %dma_start3A_41] : memref<16384x256xf32, #tpu.memory_space<hbm>> -> memref<128x256xf32, #tpu.memory_space<hbm>>
      tpu.enqueue_dma source(%arg7 : memref<128x256xf32, #tpu.memory_space<vmem>>) target(%dma_start3A_42 : memref<128x256xf32, #tpu.memory_space<hbm>>) target_semaphore(%run_scoped3A : memref<!tpu.dma_semaphore, #tpu.memory_space<semaphore_mem>>)
      %dma_wait3A_43 = arith.constant 0 : i32
      %dma_wait3A_44 = tpu.memref_slice %arg4[%add3A_4, %dma_wait3A_43] : memref<16384x256xf32, #tpu.memory_space<hbm>> -> memref<128x256xf32, #tpu.memory_space<hbm>>
      %dma_wait3A_45 = arith.constant 0 : i32
      %dma_wait3A_46 = tpu.memref_slice %arg4[%add3A_4, %dma_wait3A_45] : memref<16384x256xf32, #tpu.memory_space<hbm>> -> memref<128x256xf32, #tpu.memory_space<hbm>>
      tpu.wait_dma2 semaphore(%run_scoped3A : memref<!tpu.dma_semaphore, #tpu.memory_space<semaphore_mem>>) src(%arg7 : memref<128x256xf32, #tpu.memory_space<vmem>>) dst(%dma_wait3A_46 : memref<128x256xf32, #tpu.memory_space<hbm>>)
      tpu.yield
    }) : () -> ()
    "tpu.region"() ({
      %run_scoped3A = tpu.sem_alloc : memref<!tpu.dma_semaphore, #tpu.memory_space<semaphore_mem>>
      %dma_start3A_39 = arith.constant 0 : i32
      %dma_start3A_40 = tpu.memref_slice %arg5[%add3A_4, %dma_start3A_39] : memref<16384x256xf32, #tpu.memory_space<hbm>> -> memref<128x256xf32, #tpu.memory_space<hbm>>
      %dma_start3A_41 = arith.constant 0 : i32
      %dma_start3A_42 = tpu.memref_slice %arg5[%add3A_4, %dma_start3A_41] : memref<16384x256xf32, #tpu.memory_space<hbm>> -> memref<128x256xf32, #tpu.memory_space<hbm>>
      tpu.enqueue_dma source(%arg7 : memref<128x256xf32, #tpu.memory_space<vmem>>) target(%dma_start3A_42 : memref<128x256xf32, #tpu.memory_space<hbm>>) target_semaphore(%run_scoped3A : memref<!tpu.dma_semaphore, #tpu.memory_space<semaphore_mem>>)
      %dma_wait3A_43 = arith.constant 0 : i32
      %dma_wait3A_44 = tpu.memref_slice %arg5[%add3A_4, %dma_wait3A_43] : memref<16384x256xf32, #tpu.memory_space<hbm>> -> memref<128x256xf32, #tpu.memory_space<hbm>>
      %dma_wait3A_45 = arith.constant 0 : i32
      %dma_wait3A_46 = tpu.memref_slice %arg5[%add3A_4, %dma_wait3A_45] : memref<16384x256xf32, #tpu.memory_space<hbm>> -> memref<128x256xf32, #tpu.memory_space<hbm>>
      tpu.wait_dma2 semaphore(%run_scoped3A : memref<!tpu.dma_semaphore, #tpu.memory_space<semaphore_mem>>) src(%arg7 : memref<128x256xf32, #tpu.memory_space<vmem>>) dst(%dma_wait3A_46 : memref<128x256xf32, #tpu.memory_space<hbm>>)
      tpu.yield
    }) : () -> ()
    %mul3A_9 = arith.constant 512 : i32
    %mul3A_10 = arith.muli %add3A, %mul3A_9 : i32
    %add3A_11 = arith.constant 128 : i32
    %add3A_12 = arith.addi %mul3A_10, %add3A_11 : i32
    "tpu.region"() ({
      %run_scoped3A = tpu.sem_alloc : memref<!tpu.dma_semaphore, #tpu.memory_space<semaphore_mem>>
      %dma_start3A_39 = tpu.memref_slice %arg2[%add3A_12] : memref<16384xi32, #tpu.memory_space<hbm>> -> memref<128xi32, #tpu.memory_space<hbm>>
      %dma_start3A_40 = tpu.memref_slice %arg2[%add3A_12] : memref<16384xi32, #tpu.memory_space<hbm>> -> memref<128xi32, #tpu.memory_space<hbm>>
      tpu.enqueue_dma source(%dma_start3A_40 : memref<128xi32, #tpu.memory_space<hbm>>) target(%arg6 : memref<128xi32, #tpu.memory_space<vmem>>) target_semaphore(%run_scoped3A : memref<!tpu.dma_semaphore, #tpu.memory_space<semaphore_mem>>)
      %dma_wait3A_41 = tpu.memref_slice %arg2[%add3A_12] : memref<16384xi32, #tpu.memory_space<hbm>> -> memref<128xi32, #tpu.memory_space<hbm>>
      %dma_wait3A_42 = tpu.memref_slice %arg2[%add3A_12] : memref<16384xi32, #tpu.memory_space<hbm>> -> memref<128xi32, #tpu.memory_space<hbm>>
      tpu.wait_dma2 semaphore(%run_scoped3A : memref<!tpu.dma_semaphore, #tpu.memory_space<semaphore_mem>>) src(%dma_wait3A_42 : memref<128xi32, #tpu.memory_space<hbm>>) dst(%arg6 : memref<128xi32, #tpu.memory_space<vmem>>)
      tpu.yield
    }) : () -> ()
    %dma_start3A_13 = arith.constant 0 : i32
    %dma_start3A_14 = arith.constant 0 : i32
    %dma_start3A_15 = tpu.memref_slice %arg3[%dma_start3A_13, %dma_start3A_14] : memref<8192x256xf32, #tpu.memory_space<hbm>> -> memref<8192x256xf32, #tpu.memory_space<hbm>>
    tpu.enqueue_indirect_dma source(%dma_start3A_15 : memref<8192x256xf32, #tpu.memory_space<hbm>>) target(%arg7 : memref<128x256xf32, #tpu.memory_space<vmem>>) offsets(%arg6 : memref<128xi32, #tpu.memory_space<vmem>>) semaphore(%arg8 : memref<!tpu.dma_semaphore, #tpu.memory_space<semaphore_mem>>)
    %dma_wait3A_16 = arith.constant 0 : i32
    %dma_wait3A_17 = arith.constant 0 : i32
    %dma_wait3A_18 = tpu.memref_slice %arg3[%dma_wait3A_16, %dma_wait3A_17] : memref<8192x256xf32, #tpu.memory_space<hbm>> -> memref<8192x256xf32, #tpu.memory_space<hbm>>
    tpu.wait_indirect_dma semaphore(%arg8 : memref<!tpu.dma_semaphore, #tpu.memory_space<semaphore_mem>>) src(%dma_wait3A_18 : memref<8192x256xf32, #tpu.memory_space<hbm>>) dst(%arg7 : memref<128x256xf32, #tpu.memory_space<vmem>>)
    "tpu.region"() ({
      %run_scoped3A = tpu.sem_alloc : memref<!tpu.dma_semaphore, #tpu.memory_space<semaphore_mem>>
      %dma_start3A_39 = arith.constant 0 : i32
      %dma_start3A_40 = tpu.memref_slice %arg4[%add3A_12, %dma_start3A_39] : memref<16384x256xf32, #tpu.memory_space<hbm>> -> memref<128x256xf32, #tpu.memory_space<hbm>>
      %dma_start3A_41 = arith.constant 0 : i32
      %dma_start3A_42 = tpu.memref_slice %arg4[%add3A_12, %dma_start3A_41] : memref<16384x256xf32, #tpu.memory_space<hbm>> -> memref<128x256xf32, #tpu.memory_space<hbm>>
      tpu.enqueue_dma source(%arg7 : memref<128x256xf32, #tpu.memory_space<vmem>>) target(%dma_start3A_42 : memref<128x256xf32, #tpu.memory_space<hbm>>) target_semaphore(%run_scoped3A : memref<!tpu.dma_semaphore, #tpu.memory_space<semaphore_mem>>)
      %dma_wait3A_43 = arith.constant 0 : i32
      %dma_wait3A_44 = tpu.memref_slice %arg4[%add3A_12, %dma_wait3A_43] : memref<16384x256xf32, #tpu.memory_space<hbm>> -> memref<128x256xf32, #tpu.memory_space<hbm>>
      %dma_wait3A_45 = arith.constant 0 : i32
      %dma_wait3A_46 = tpu.memref_slice %arg4[%add3A_12, %dma_wait3A_45] : memref<16384x256xf32, #tpu.memory_space<hbm>> -> memref<128x256xf32, #tpu.memory_space<hbm>>
      tpu.wait_dma2 semaphore(%run_scoped3A : memref<!tpu.dma_semaphore, #tpu.memory_space<semaphore_mem>>) src(%arg7 : memref<128x256xf32, #tpu.memory_space<vmem>>) dst(%dma_wait3A_46 : memref<128x256xf32, #tpu.memory_space<hbm>>)
      tpu.yield
    }) : () -> ()
    "tpu.region"() ({
      %run_scoped3A = tpu.sem_alloc : memref<!tpu.dma_semaphore, #tpu.memory_space<semaphore_mem>>
      %dma_start3A_39 = arith.constant 0 : i32
      %dma_start3A_40 = tpu.memref_slice %arg5[%add3A_12, %dma_start3A_39] : memref<16384x256xf32, #tpu.memory_space<hbm>> -> memref<128x256xf32, #tpu.memory_space<hbm>>
      %dma_start3A_41 = arith.constant 0 : i32
      %dma_start3A_42 = tpu.memref_slice %arg5[%add3A_12, %dma_start3A_41] : memref<16384x256xf32, #tpu.memory_space<hbm>> -> memref<128x256xf32, #tpu.memory_space<hbm>>
      tpu.enqueue_dma source(%arg7 : memref<128x256xf32, #tpu.memory_space<vmem>>) target(%dma_start3A_42 : memref<128x256xf32, #tpu.memory_space<hbm>>) target_semaphore(%run_scoped3A : memref<!tpu.dma_semaphore, #tpu.memory_space<semaphore_mem>>)
      %dma_wait3A_43 = arith.constant 0 : i32
      %dma_wait3A_44 = tpu.memref_slice %arg5[%add3A_12, %dma_wait3A_43] : memref<16384x256xf32, #tpu.memory_space<hbm>> -> memref<128x256xf32, #tpu.memory_space<hbm>>
      %dma_wait3A_45 = arith.constant 0 : i32
      %dma_wait3A_46 = tpu.memref_slice %arg5[%add3A_12, %dma_wait3A_45] : memref<16384x256xf32, #tpu.memory_space<hbm>> -> memref<128x256xf32, #tpu.memory_space<hbm>>
      tpu.wait_dma2 semaphore(%run_scoped3A : memref<!tpu.dma_semaphore, #tpu.memory_space<semaphore_mem>>) src(%arg7 : memref<128x256xf32, #tpu.memory_space<vmem>>) dst(%dma_wait3A_46 : memref<128x256xf32, #tpu.memory_space<hbm>>)
      tpu.yield
    }) : () -> ()
    %mul3A_19 = arith.constant 512 : i32
    %mul3A_20 = arith.muli %add3A, %mul3A_19 : i32
    %add3A_21 = arith.constant 256 : i32
    %add3A_22 = arith.addi %mul3A_20, %add3A_21 : i32
    "tpu.region"() ({
      %run_scoped3A = tpu.sem_alloc : memref<!tpu.dma_semaphore, #tpu.memory_space<semaphore_mem>>
      %dma_start3A_39 = tpu.memref_slice %arg2[%add3A_22] : memref<16384xi32, #tpu.memory_space<hbm>> -> memref<128xi32, #tpu.memory_space<hbm>>
      %dma_start3A_40 = tpu.memref_slice %arg2[%add3A_22] : memref<16384xi32, #tpu.memory_space<hbm>> -> memref<128xi32, #tpu.memory_space<hbm>>
      tpu.enqueue_dma source(%dma_start3A_40 : memref<128xi32, #tpu.memory_space<hbm>>) target(%arg6 : memref<128xi32, #tpu.memory_space<vmem>>) target_semaphore(%run_scoped3A : memref<!tpu.dma_semaphore, #tpu.memory_space<semaphore_mem>>)
      %dma_wait3A_41 = tpu.memref_slice %arg2[%add3A_22] : memref<16384xi32, #tpu.memory_space<hbm>> -> memref<128xi32, #tpu.memory_space<hbm>>
      %dma_wait3A_42 = tpu.memref_slice %arg2[%add3A_22] : memref<16384xi32, #tpu.memory_space<hbm>> -> memref<128xi32, #tpu.memory_space<hbm>>
      tpu.wait_dma2 semaphore(%run_scoped3A : memref<!tpu.dma_semaphore, #tpu.memory_space<semaphore_mem>>) src(%dma_wait3A_42 : memref<128xi32, #tpu.memory_space<hbm>>) dst(%arg6 : memref<128xi32, #tpu.memory_space<vmem>>)
      tpu.yield
    }) : () -> ()
    %dma_start3A_23 = arith.constant 0 : i32
    %dma_start3A_24 = arith.constant 0 : i32
    %dma_start3A_25 = tpu.memref_slice %arg3[%dma_start3A_23, %dma_start3A_24] : memref<8192x256xf32, #tpu.memory_space<hbm>> -> memref<8192x256xf32, #tpu.memory_space<hbm>>
    tpu.enqueue_indirect_dma source(%dma_start3A_25 : memref<8192x256xf32, #tpu.memory_space<hbm>>) target(%arg7 : memref<128x256xf32, #tpu.memory_space<vmem>>) offsets(%arg6 : memref<128xi32, #tpu.memory_space<vmem>>) semaphore(%arg8 : memref<!tpu.dma_semaphore, #tpu.memory_space<semaphore_mem>>)
    %dma_wait3A_26 = arith.constant 0 : i32
    %dma_wait3A_27 = arith.constant 0 : i32
    %dma_wait3A_28 = tpu.memref_slice %arg3[%dma_wait3A_26, %dma_wait3A_27] : memref<8192x256xf32, #tpu.memory_space<hbm>> -> memref<8192x256xf32, #tpu.memory_space<hbm>>
    tpu.wait_indirect_dma semaphore(%arg8 : memref<!tpu.dma_semaphore, #tpu.memory_space<semaphore_mem>>) src(%dma_wait3A_28 : memref<8192x256xf32, #tpu.memory_space<hbm>>) dst(%arg7 : memref<128x256xf32, #tpu.memory_space<vmem>>)
    "tpu.region"() ({
      %run_scoped3A = tpu.sem_alloc : memref<!tpu.dma_semaphore, #tpu.memory_space<semaphore_mem>>
      %dma_start3A_39 = arith.constant 0 : i32
      %dma_start3A_40 = tpu.memref_slice %arg4[%add3A_22, %dma_start3A_39] : memref<16384x256xf32, #tpu.memory_space<hbm>> -> memref<128x256xf32, #tpu.memory_space<hbm>>
      %dma_start3A_41 = arith.constant 0 : i32
      %dma_start3A_42 = tpu.memref_slice %arg4[%add3A_22, %dma_start3A_41] : memref<16384x256xf32, #tpu.memory_space<hbm>> -> memref<128x256xf32, #tpu.memory_space<hbm>>
      tpu.enqueue_dma source(%arg7 : memref<128x256xf32, #tpu.memory_space<vmem>>) target(%dma_start3A_42 : memref<128x256xf32, #tpu.memory_space<hbm>>) target_semaphore(%run_scoped3A : memref<!tpu.dma_semaphore, #tpu.memory_space<semaphore_mem>>)
      %dma_wait3A_43 = arith.constant 0 : i32
      %dma_wait3A_44 = tpu.memref_slice %arg4[%add3A_22, %dma_wait3A_43] : memref<16384x256xf32, #tpu.memory_space<hbm>> -> memref<128x256xf32, #tpu.memory_space<hbm>>
      %dma_wait3A_45 = arith.constant 0 : i32
      %dma_wait3A_46 = tpu.memref_slice %arg4[%add3A_22, %dma_wait3A_45] : memref<16384x256xf32, #tpu.memory_space<hbm>> -> memref<128x256xf32, #tpu.memory_space<hbm>>
      tpu.wait_dma2 semaphore(%run_scoped3A : memref<!tpu.dma_semaphore, #tpu.memory_space<semaphore_mem>>) src(%arg7 : memref<128x256xf32, #tpu.memory_space<vmem>>) dst(%dma_wait3A_46 : memref<128x256xf32, #tpu.memory_space<hbm>>)
      tpu.yield
    }) : () -> ()
    "tpu.region"() ({
      %run_scoped3A = tpu.sem_alloc : memref<!tpu.dma_semaphore, #tpu.memory_space<semaphore_mem>>
      %dma_start3A_39 = arith.constant 0 : i32
      %dma_start3A_40 = tpu.memref_slice %arg5[%add3A_22, %dma_start3A_39] : memref<16384x256xf32, #tpu.memory_space<hbm>> -> memref<128x256xf32, #tpu.memory_space<hbm>>
      %dma_start3A_41 = arith.constant 0 : i32
      %dma_start3A_42 = tpu.memref_slice %arg5[%add3A_22, %dma_start3A_41] : memref<16384x256xf32, #tpu.memory_space<hbm>> -> memref<128x256xf32, #tpu.memory_space<hbm>>
      tpu.enqueue_dma source(%arg7 : memref<128x256xf32, #tpu.memory_space<vmem>>) target(%dma_start3A_42 : memref<128x256xf32, #tpu.memory_space<hbm>>) target_semaphore(%run_scoped3A : memref<!tpu.dma_semaphore, #tpu.memory_space<semaphore_mem>>)
      %dma_wait3A_43 = arith.constant 0 : i32
      %dma_wait3A_44 = tpu.memref_slice %arg5[%add3A_22, %dma_wait3A_43] : memref<16384x256xf32, #tpu.memory_space<hbm>> -> memref<128x256xf32, #tpu.memory_space<hbm>>
      %dma_wait3A_45 = arith.constant 0 : i32
      %dma_wait3A_46 = tpu.memref_slice %arg5[%add3A_22, %dma_wait3A_45] : memref<16384x256xf32, #tpu.memory_space<hbm>> -> memref<128x256xf32, #tpu.memory_space<hbm>>
      tpu.wait_dma2 semaphore(%run_scoped3A : memref<!tpu.dma_semaphore, #tpu.memory_space<semaphore_mem>>) src(%arg7 : memref<128x256xf32, #tpu.memory_space<vmem>>) dst(%dma_wait3A_46 : memref<128x256xf32, #tpu.memory_space<hbm>>)
      tpu.yield
    }) : () -> ()
    %mul3A_29 = arith.constant 512 : i32
    %mul3A_30 = arith.muli %add3A, %mul3A_29 : i32
    %add3A_31 = arith.constant 384 : i32
    %add3A_32 = arith.addi %mul3A_30, %add3A_31 : i32
    "tpu.region"() ({
      %run_scoped3A = tpu.sem_alloc : memref<!tpu.dma_semaphore, #tpu.memory_space<semaphore_mem>>
      %dma_start3A_39 = tpu.memref_slice %arg2[%add3A_32] : memref<16384xi32, #tpu.memory_space<hbm>> -> memref<128xi32, #tpu.memory_space<hbm>>
      %dma_start3A_40 = tpu.memref_slice %arg2[%add3A_32] : memref<16384xi32, #tpu.memory_space<hbm>> -> memref<128xi32, #tpu.memory_space<hbm>>
      tpu.enqueue_dma source(%dma_start3A_40 : memref<128xi32, #tpu.memory_space<hbm>>) target(%arg6 : memref<128xi32, #tpu.memory_space<vmem>>) target_semaphore(%run_scoped3A : memref<!tpu.dma_semaphore, #tpu.memory_space<semaphore_mem>>)
      %dma_wait3A_41 = tpu.memref_slice %arg2[%add3A_32] : memref<16384xi32, #tpu.memory_space<hbm>> -> memref<128xi32, #tpu.memory_space<hbm>>
      %dma_wait3A_42 = tpu.memref_slice %arg2[%add3A_32] : memref<16384xi32, #tpu.memory_space<hbm>> -> memref<128xi32, #tpu.memory_space<hbm>>
      tpu.wait_dma2 semaphore(%run_scoped3A : memref<!tpu.dma_semaphore, #tpu.memory_space<semaphore_mem>>) src(%dma_wait3A_42 : memref<128xi32, #tpu.memory_space<hbm>>) dst(%arg6 : memref<128xi32, #tpu.memory_space<vmem>>)
      tpu.yield
    }) : () -> ()
    %dma_start3A_33 = arith.constant 0 : i32
    %dma_start3A_34 = arith.constant 0 : i32
    %dma_start3A_35 = tpu.memref_slice %arg3[%dma_start3A_33, %dma_start3A_34] : memref<8192x256xf32, #tpu.memory_space<hbm>> -> memref<8192x256xf32, #tpu.memory_space<hbm>>
    tpu.enqueue_indirect_dma source(%dma_start3A_35 : memref<8192x256xf32, #tpu.memory_space<hbm>>) target(%arg7 : memref<128x256xf32, #tpu.memory_space<vmem>>) offsets(%arg6 : memref<128xi32, #tpu.memory_space<vmem>>) semaphore(%arg8 : memref<!tpu.dma_semaphore, #tpu.memory_space<semaphore_mem>>)
    %dma_wait3A_36 = arith.constant 0 : i32
    %dma_wait3A_37 = arith.constant 0 : i32
    %dma_wait3A_38 = tpu.memref_slice %arg3[%dma_wait3A_36, %dma_wait3A_37] : memref<8192x256xf32, #tpu.memory_space<hbm>> -> memref<8192x256xf32, #tpu.memory_space<hbm>>
    tpu.wait_indirect_dma semaphore(%arg8 : memref<!tpu.dma_semaphore, #tpu.memory_space<semaphore_mem>>) src(%dma_wait3A_38 : memref<8192x256xf32, #tpu.memory_space<hbm>>) dst(%arg7 : memref<128x256xf32, #tpu.memory_space<vmem>>)
    "tpu.region"() ({
      %run_scoped3A = tpu.sem_alloc : memref<!tpu.dma_semaphore, #tpu.memory_space<semaphore_mem>>
      %dma_start3A_39 = arith.constant 0 : i32
      %dma_start3A_40 = tpu.memref_slice %arg4[%add3A_32, %dma_start3A_39] : memref<16384x256xf32, #tpu.memory_space<hbm>> -> memref<128x256xf32, #tpu.memory_space<hbm>>
      %dma_start3A_41 = arith.constant 0 : i32
      %dma_start3A_42 = tpu.memref_slice %arg4[%add3A_32, %dma_start3A_41] : memref<16384x256xf32, #tpu.memory_space<hbm>> -> memref<128x256xf32, #tpu.memory_space<hbm>>
      tpu.enqueue_dma source(%arg7 : memref<128x256xf32, #tpu.memory_space<vmem>>) target(%dma_start3A_42 : memref<128x256xf32, #tpu.memory_space<hbm>>) target_semaphore(%run_scoped3A : memref<!tpu.dma_semaphore, #tpu.memory_space<semaphore_mem>>)
      %dma_wait3A_43 = arith.constant 0 : i32
      %dma_wait3A_44 = tpu.memref_slice %arg4[%add3A_32, %dma_wait3A_43] : memref<16384x256xf32, #tpu.memory_space<hbm>> -> memref<128x256xf32, #tpu.memory_space<hbm>>
      %dma_wait3A_45 = arith.constant 0 : i32
      %dma_wait3A_46 = tpu.memref_slice %arg4[%add3A_32, %dma_wait3A_45] : memref<16384x256xf32, #tpu.memory_space<hbm>> -> memref<128x256xf32, #tpu.memory_space<hbm>>
      tpu.wait_dma2 semaphore(%run_scoped3A : memref<!tpu.dma_semaphore, #tpu.memory_space<semaphore_mem>>) src(%arg7 : memref<128x256xf32, #tpu.memory_space<vmem>>) dst(%dma_wait3A_46 : memref<128x256xf32, #tpu.memory_space<hbm>>)
      tpu.yield
    }) : () -> ()
    "tpu.region"() ({
      %run_scoped3A = tpu.sem_alloc : memref<!tpu.dma_semaphore, #tpu.memory_space<semaphore_mem>>
      %dma_start3A_39 = arith.constant 0 : i32
      %dma_start3A_40 = tpu.memref_slice %arg5[%add3A_32, %dma_start3A_39] : memref<16384x256xf32, #tpu.memory_space<hbm>> -> memref<128x256xf32, #tpu.memory_space<hbm>>
      %dma_start3A_41 = arith.constant 0 : i32
      %dma_start3A_42 = tpu.memref_slice %arg5[%add3A_32, %dma_start3A_41] : memref<16384x256xf32, #tpu.memory_space<hbm>> -> memref<128x256xf32, #tpu.memory_space<hbm>>
      tpu.enqueue_dma source(%arg7 : memref<128x256xf32, #tpu.memory_space<vmem>>) target(%dma_start3A_42 : memref<128x256xf32, #tpu.memory_space<hbm>>) target_semaphore(%run_scoped3A : memref<!tpu.dma_semaphore, #tpu.memory_space<semaphore_mem>>)
      %dma_wait3A_43 = arith.constant 0 : i32
      %dma_wait3A_44 = tpu.memref_slice %arg5[%add3A_32, %dma_wait3A_43] : memref<16384x256xf32, #tpu.memory_space<hbm>> -> memref<128x256xf32, #tpu.memory_space<hbm>>
      %dma_wait3A_45 = arith.constant 0 : i32
      %dma_wait3A_46 = tpu.memref_slice %arg5[%add3A_32, %dma_wait3A_45] : memref<16384x256xf32, #tpu.memory_space<hbm>> -> memref<128x256xf32, #tpu.memory_space<hbm>>
      tpu.wait_dma2 semaphore(%run_scoped3A : memref<!tpu.dma_semaphore, #tpu.memory_space<semaphore_mem>>) src(%arg7 : memref<128x256xf32, #tpu.memory_space<vmem>>) dst(%dma_wait3A_46 : memref<128x256xf32, #tpu.memory_space<hbm>>)
      tpu.yield
    }) : () -> ()
    return
  }
}

module attributes {stable_mosaic.version = 14 : i64} {
  func.func @_argmin_body(%arg0: i32, %arg1: memref<256x256xbf16, #tpu.memory_space<vmem>>, %arg2: memref<8192x256xbf16, #tpu.memory_space<vmem>>, %arg3: memref<1x8192xf32, #tpu.memory_space<vmem>>, %arg4: memref<256x1xi32, #tpu.memory_space<vmem>>) attributes {dimension_semantics = [#tpu.dimension_semantics<arbitrary>], iteration_bounds = array<i64: 64>, scalar_prefetch = 0 : i64, scratch_operands = 0 : i64, tpu.core_type = #tpu.core_type<tc>, window_params = [{transform_indices = @transform_0, window_bounds = array<i64: 256, 256>}, {pipeline_mode = #tpu.pipeline_mode<synchronous>, transform_indices = @transform_1, window_bounds = array<i64: 8192, 256>}, {pipeline_mode = #tpu.pipeline_mode<synchronous>, transform_indices = @transform_2, window_bounds = array<i64: 1, 8192>}, {transform_indices = @transform_3, window_bounds = array<i64: 256, 1>}]} {
    %get3A = arith.constant 0 : index
    %get3A_0 = arith.constant 0 : index
    %get3A_1 = vector.load %arg1[%get3A, %get3A_0] : memref<256x256xbf16, #tpu.memory_space<vmem>>, vector<256x256xbf16>
    %get3A_2 = arith.constant 0 : index
    %get3A_3 = arith.constant 0 : index
    %get3A_4 = vector.load %arg2[%get3A_2, %get3A_3] : memref<8192x256xbf16, #tpu.memory_space<vmem>>, vector<8192x256xbf16>
    %dot_general3A = arith.constant dense<0.000000e+00> : vector<256x8192xf32>
    %dot_general3A_5 = tpu.matmul %get3A_1, %get3A_4, %dot_general3A {dimension_numbers = #tpu.dot_dimension_numbers<[1], [1], [0], [0], [0, 0, 1, 0], [], []>, transpose_lhs_hint = false} : vector<256x256xbf16>, vector<8192x256xbf16>, vector<256x8192xf32> -> vector<256x8192xf32>
    %get3A_6 = arith.constant 0 : index
    %get3A_7 = arith.constant 0 : index
    %get3A_8 = vector.load %arg3[%get3A_6, %get3A_7] : memref<1x8192xf32, #tpu.memory_space<vmem>>, vector<1x8192xf32>
    %mul3A = arith.constant 2.000000e+00 : f32
    %mul3A_9 = vector.broadcast %mul3A : f32 to vector<256x8192xf32>
    %mul3A_10 = arith.mulf %mul3A_9, %dot_general3A_5 : vector<256x8192xf32>
    %sub3A = vector.broadcast %get3A_8 : vector<1x8192xf32> to vector<256x8192xf32>
    %sub3A_11 = arith.subf %sub3A, %mul3A_10 : vector<256x8192xf32>
    %reduce_min3A = arith.constant dense<0x7F800000> : vector<256xf32>
    %reduce_min3A_12 = vector.multi_reduction <minimumf>, %sub3A_11, %reduce_min3A [1] : vector<256x8192xf32> to vector<256xf32>
    %broadcast_in_dim3A = vector.shape_cast %reduce_min3A_12 : vector<256xf32> to vector<256x1xf32>
    %iota3A = tpu.iota {dimensions = array<i32: 1>} : vector<256x8192xi32>
    %eq3A = vector.broadcast %broadcast_in_dim3A : vector<256x1xf32> to vector<256x8192xf32>
    %eq3A_13 = arith.cmpf oeq, %sub3A_11, %eq3A : vector<256x8192xf32>
    %jit3A = arith.constant 1073741824 : i32
    %broadcast_in_dim3A_14 = vector.broadcast %jit3A : i32 to vector<256x8192xi32>
    %select_n3A = arith.select %eq3A_13, %iota3A, %broadcast_in_dim3A_14 : vector<256x8192xi1>, vector<256x8192xi32>
    %reduce_min3A_15 = arith.constant dense<2147483647> : vector<256xi32>
    %reduce_min3A_16 = vector.multi_reduction <minsi>, %select_n3A, %reduce_min3A_15 [1] : vector<256x8192xi32> to vector<256xi32>
    %broadcast_in_dim3A_17 = vector.shape_cast %reduce_min3A_16 : vector<256xi32> to vector<256x1xi32>
    %swap3A = arith.constant 0 : index
    %swap3A_18 = arith.constant 0 : index
    %swap3A_19 = vector.load %arg4[%swap3A, %swap3A_18] : memref<256x1xi32, #tpu.memory_space<vmem>>, vector<256x1xi32>
    tpu.vector_store %arg4[%swap3A, %swap3A_18], %broadcast_in_dim3A_17 {strides = array<i32>} : memref<256x1xi32, #tpu.memory_space<vmem>>, vector<256x1xi32>,
    return
  }
  func.func @transform_0(%arg0: i32) -> (i32, i32) {
    %c0_i32 = arith.constant 0 : i32
    %c0_i32_0 = arith.constant 0 : i32
    return %arg0, %c0_i32 : i32, i32
  }
  func.func @transform_1(%arg0: i32) -> (i32, i32) {
    %c0_i32 = arith.constant 0 : i32
    %c0_i32_0 = arith.constant 0 : i32
    %c0_i32_1 = arith.constant 0 : i32
    return %c0_i32, %c0_i32_0 : i32, i32
  }
  func.func @transform_2(%arg0: i32) -> (i32, i32) {
    %c0_i32 = arith.constant 0 : i32
    %c0_i32_0 = arith.constant 0 : i32
    %c0_i32_1 = arith.constant 0 : i32
    return %c0_i32, %c0_i32_0 : i32, i32
  }
  func.func @transform_3(%arg0: i32) -> (i32, i32) {
    %c0_i32 = arith.constant 0 : i32
    %c0_i32_0 = arith.constant 0 : i32
    return %arg0, %c0_i32 : i32, i32
  }
}

</mosaic_0001>

<sc_bundles>
// kernel: kernel.4.cloned.1.call-start
scs
__scs_entry_jumppad:
0x0: {  	(pc) =	sbr.rel $0x88, $3  }
0x1: {  	(tag) =	ssettag $0x0;
	lr =	simm.s32 $0x1  }
0x2: {  	[smem:$0x3F9F] =	sst lr;
	_ =	strace $0xD0000000  }
0x3: {  	_ = 	snop  }
0x4: {  	_ = 	snop  }
0x5: {  	_ = 	snop  }
0x6: {  	_ = 	snop  }
0x7: {  	_ = 	snop  }
__scs_overlays_trampoline_lowered:
0x8: {  	[smem:$0x3FAE] =	sst s0  }
0x9: {  	[smem:$0x3FAF] =	sst s1  }
0xa: {  	[smem:$0x3FB0] =	sst s2  }
0xb: {  	[smem:$0x3FB1] =	sst s3  }
0xc: {  	[smem:$0x3FB2] =	sst s4  }
0xd: {  	[smem:$0x3FB3] =	sst s5  }
0xe: {  	[smem:$0x3FB4] =	sst s6  }
0xf: {  	[smem:$0x3FB5] =	sst s7  }
0x10: {  	[smem:$0x3FB6] =	sst s8  }
0x11: {  	[smem:$0x3FB7] =	sst s9;
	s0 =	simm.s32 @!p0 $0x0  }
0x12: {  	s1 =	sld [smem:$0x3F9D];
	s0 =	simm.s32 @p0 $0x1  }
0x13: {  	[smem:$0x3FB8] =	sst s0;
	s0 =	simm.s32 @!p1 $0x0  }
0x14: {  	s2 =	sld [smem:$0x3F9C];
	s0 =	simm.s32 @p1 $0x1  }
0x15: {  	[smem:$0x3FB9] =	sst s0;
	s0 =	simm.s32 @!p2 $0x0  }
0x16: {  	s3 =	sld [smem:$0x3FDB];
	s0 =	simm.s32 @p2 $0x1  }
0x17: {  	s4 =	simm.s32 $0x1BF5;
	[smem:$0x3FBB] =	sst s0  }
0x18: {  	s0 =	sld [smem:$0x3F9E];
	_ =	swait.ge [sflag:s4], $0x0  }
0x19: {  	s7 =	sld [smem:$0x3F9F]  }
0x1a: {  	s8 =	sadd.s32 $0xFFFFE003, lr  }
0x1b: {  	s9 =	sadd.s32 $0xFFFFFEF7, lr;
	s5 =	simm.s32 $0xFFFFFFFF;
	p2 =	slt.u32 s8, $0xFFFFF086  }
0x1c: {  	p1 =	slt.u32 s9, $0xF7A;
	s5 =	simm.s32 @!p2 $0x0  }
0x1d: {  	s5 =	simm.s32 @p1 $0x1;
	p0 =	seq.s32 s7, s2  }
0x1e: {  	s7 =	smul.u32 @!p0 $0xF7A, s2;
	p2 =	seq.s32 @!p0 s5, $0x0  }
0x1f: {  	s9 =	smul.u32 $0xF7A, s1;
	s8 =	simm.s32 @!p0 $0x1BF5;
	p2 =	por !p2, p0  }
0x20: {  	[sflag:s8] =	ssyncset.s32 @!p0 $0xFFFFF086;
	s6 =	sadd.s32 @!p0 s3, s7;
	s7 =	simm.s32 @!p0 $0x108  }
0x21: {  	s3 =	sadd.s32 s3, s9;
	s6 =	sadd.s32 @!p0 $0x88, s6;
	s7 =	simm.s32 @p2 $0x1082  }
0x22: {  	[simem:s7], [sflag:s8] =	dma.local @!p0 [hbm:s6], $0xF7A  }
0x23: {  	s9 =	sor.u32 $0xD0000000, s2;
	s6 =	simm.s32 $0x108;
	_ =	swait.ge @!p0 [sflag:s8], $0x0  }
0x24: {  	s3 =	sadd.s32 $0x88, s3;
	s6 =	simm.s32 @!p1 $0x1082;
	[sflag:s4] =	ssyncset.s32 $0xFFFFF086  }
0x25: {  	[simem:s6], [sflag:s4] =	dma.local [hbm:s3], $0xF7A  }
0x26: {  	[smem:$0x3F9F] =	sst s1;
	(tag) =	ssettag s2;
	_ =	strace s9  }
0x27: {  	s1 =	sld [smem:$0x3FAF]  }
0x28: {  	s2 =	sld [smem:$0x3FB0]  }
0x29: {  	s4 =	sld [smem:$0x3FB2]  }
0x2a: {  	p0 =	seq.s32 s5, $0x0;
	s5 =	sld [smem:$0x3FB3]  }
0x2b: {  	s6 =	sld [smem:$0x3FB4]  }
0x2c: {  	s7 =	sld [smem:$0x3FB5]  }
0x2d: {  	s3 =	simm.s32 $0x108;
	s8 =	sld [smem:$0x3FB6]  }
0x2e: {  	s3 =	simm.s32 @!p0 $0x1082;
	s9 =	sld [smem:$0x3FB7]  }
0x2f: {  	lr =	sadd.s32 s0, s3;
	s0 =	sld [smem:$0x3FAE]  }
0x30: {  	s3 =	sld [smem:$0x3FB1]  }
0x31: {  	[smem:$0x3FBA] =	sst s10  }
0x32: {  	s10 =	sld [smem:$0x3FB8];
	_ =	sdelay $0x3  }
0x33: {  	p0 =	seq.s32 s10, $0x1;
	s10 =	sld [smem:$0x3FBA];
	_ =	sdelay $0x3  }
0x34: {  	[smem:$0x3FBA] =	sst s10  }
0x35: {  	s10 =	sld [smem:$0x3FB9];
	_ =	sdelay $0x3  }
0x36: {  	p1 =	seq.s32 s10, $0x1;
	s10 =	sld [smem:$0x3FBA];
	_ =	sdelay $0x3  }
0x37: {  	[smem:$0x3FBA] =	sst s10  }
0x38: {  	s10 =	sld [smem:$0x3FBB]  }
0x39: {  	_ = 	snop;
	(pc) =	sbr.ind lr, $3  }
0x3a: {  	_ = 	snop  }
0x3b: {  	_ = 	snop  }
0x3c: {  	p2 =	seq.s32 s10, $0x1;
	s10 =	sld [smem:$0x3FBA]  }
0x3d: {  	_ =	shalt  }
0x3e: {  	_ =	shalt  }
0x3f: {  	_ =	shalt  }
0x40: {  	_ =	shalt  }
0x41: {  	_ =	shalt  }
0x42: {  	_ =	shalt  }
0x43: {  	_ =	shalt  }
0x44: {  	_ =	shalt  }
0x45: {  	_ =	shalt  }
0x46: {  	_ =	shalt  }
0x47: {  	_ =	shalt  }
0x48: {  	_ =	shalt  }
0x49: {  	_ =	shalt  }
0x4a: {  	_ =	shalt  }
0x4b: {  	_ =	shalt  }
0x4c: {  	_ =	shalt  }
0x4d: {  	_ =	shalt  }
0x4e: {  	_ =	shalt  }
0x4f: {  	_ =	shalt  }
0x50: {  	_ =	shalt  }
0x51: {  	_ =	shalt  }
0x52: {  	_ =	shalt  }
0x53: {  	_ =	shalt  }
0x54: {  	_ =	shalt  }
0x55: {  	_ =	shalt  }
0x56: {  	_ =	shalt  }
0x57: {  	_ =	shalt  }
0x58: {  	_ =	shalt  }
0x59: {  	_ =	shalt  }
0x5a: {  	_ =	shalt  }
0x5b: {  	_ =	shalt  }
0x5c: {  	_ =	shalt  }
0x5d: {  	_ =	shalt  }
0x5e: {  	_ =	shalt  }
0x5f: {  	_ =	shalt  }
0x60: {  	_ =	shalt  }
0x61: {  	_ =	shalt  }
0x62: {  	_ =	shalt  }
0x63: {  	_ =	shalt  }
0x64: {  	_ =	shalt  }
0x65: {  	_ =	shalt  }
0x66: {  	_ =	shalt  }
0x67: {  	_ =	shalt  }
0x68: {  	_ =	shalt  }
0x69: {  	_ =	shalt  }
0x6a: {  	_ =	shalt  }
0x6b: {  	_ =	shalt  }
0x6c: {  	_ =	shalt  }
0x6d: {  	_ =	shalt  }
0x6e: {  	_ =	shalt  }
0x6f: {  	_ =	shalt  }
0x70: {  	_ =	shalt  }
0x71: {  	_ =	shalt  }
0x72: {  	_ =	shalt  }
0x73: {  	_ =	shalt  }
0x74: {  	_ =	shalt  }
0x75: {  	_ =	shalt  }
0x76: {  	_ =	shalt  }
0x77: {  	_ =	shalt  }
0x78: {  	_ =	shalt  }
0x79: {  	_ =	shalt  }
0x7a: {  	_ =	shalt  }
0x7b: {  	_ =	shalt  }
0x7c: {  	_ =	shalt  }
0x7d: {  	_ =	shalt  }
0x7e: {  	_ =	shalt  }
0x7f: {  	_ =	shalt  }
0x80: {  	_ =	shalt  }
0x81: {  	_ =	shalt  }
0x82: {  	_ =	shalt  }
0x83: {  	_ =	shalt  }
0x84: {  	_ =	shalt  }
0x85: {  	_ =	shalt  }
0x86: {  	_ =	shalt  }
0x87: {  	_ =	shalt  }
.Lfunc_end0:
.L_simem_size_0:
called_computation_lowered:
.L_overlay_start_0:
0x88: {  	s2 =	sld [smem:$0x3FD9]  }
0x89: {  	s3 =	sld [smem:$0x3FFE];
	_ =	sdelay $0x1  }
0x8a: {  	s1 =	srdreg.scid  }
0x8b: {  	s0 =	sand.u32 $0x1, s1  }
0x8c: {  	s14 =	sshll.u32 s0, $0xA;
	s2 =	sadd.s32 s3, s2  }
0x8d: {  	s2 =	sadd.s32 s2, s14  }
0x8e: {  	[smem:$0x3FC6] =	sst s2  }
0x8f: {  	_ = 	snop  }
0x90: {  	s2 =	sld [smem:$0x3FD0];
	_ =	sdelay $0x2  }
0x91: {  	s4 =	simm.s32 $0xA;
	s5 =	simm.s32 $0x10;
	s15 =	sld [smem:$0x3FC8]  }
0x92: {  	[smem:s5], [sflag:s4] =	dma.local [hbm:s2], $0x1  }
0x93: {  	_ =	swait.eq [sflag:s4], $0x1  }
0x94: {  	[sflag:s4] =	ssyncset.done $0x0  }
0x95: {  	s16 =	sld [smem:$0x10];
	[sflag:s4] =	ssyncadd.s32 $0xFFFFFFFF  }
0x96: {  	s17 =	sld [smem:$0x12];
	(tm) =	ssettm $0x1  }
0x97: {  	s18 =	sld [smem:$0x3FFB];
	_ =	sdelay $0x3  }
0x98: {  	_ =	strace s18  }
0x99: {  	s5 =	sld [smem:$0x3FFC];
	_ =	sdelay $0x3  }
0x9a: {  	_ =	strace s5  }
0x9b: {  	s5 =	sld [smem:$0x3FFD];
	_ =	sdelay $0x3  }
0x9c: {  	_ =	strace s5  }
0x9d: {  	_ =	strace $0x8FFFFFFF  }
0x9e: {  	s19 =	sld [smem:$0x3FDB];
	_ =	sdelay $0x1  }
0x9f: {  	s6 =	simm.s32 $_scs_section_size  }
0xa0: {  	s7 =	simm.s32 $_size__tile_overlayer_lowered;
	s8 =	simm.s32 $_tile_overlayer_lowered  }
0xa1: {  	s22 =	simm.s32 $0x1BFF;
	s21 =	sshll.u32 s8, $0x1;
	s5 =	sadd.s32 s6, s19  }
0xa2: {  	s9 =	simm.s32 $0x0;
	s20 =	sshll.u32 s7, $0x1;
	s7 =	sadd.s32 s21, s5  }
0xa3: {  	[timem:s9], [sflag:s22] =	dma.local [hbm:s7], s20  }
0xa4: {  	_ =	swait.ge [sflag:s22], s20  }
0xa5: {  	s6 =	ssub.s32 $0x0, s20;
	[sflag:s22] =	ssyncset.done $0x0  }
0xa6: {  	[sflag:s22] =	ssyncadd.s32 s6;
	_ =	sdelay $0x1  }
0xa7: {  	s23 =	simm.s32 $0x1B8B  }
0xa8: {  	_ =	swait.ge [sflag:s23], $0x1  }
0xa9: {  	[sflag:s23] =	ssyncset.done $0x0  }
0xaa: {  	s25 =	simm.s32 $0x1B8E;
	s24 =	sld [smem:$0x3FFE];
	[sflag:s23] =	ssyncadd.s32 $0xFFFFFFFF  }
0xab: {  	s26 =	simm.s32 $execute0_lowered;
	[smem:$0x3FD2] =	sst s25  }
0xac: {  	s7 =	sshll.u32 s26, $0x1;
	_ =	strace $0x80000046;
	[dreg:$0x1] =	wrdreg $0xFFFFFFFF  }
0xad: {  	s28 =	simm.s32 $_size_execute0_lowered;
	s5 =	sadd.s32 s5, s7;
	[dreg:$0x0] =	wrdreg $0x0  }
0xae: {  	s7 =	sshll.u32 s28, $0x1;
	[dreg:$0x2] =	wrdreg s5  }
0xaf: {  	[dreg:$0x3] =	wrdreg s7  }
0xb0: {  	[dreg:$0x4] =	wrdreg $0xC0  }
0xb1: {  	_ =	task [dreg:s9], $0x5FFFF  }
0xb2: {  	[dreg:$0x1] =	wrdreg $0xFFFFFFFF  }
0xb3: {  	[dreg:$0x0] =	wrdreg $0x60  }
0xb4: {  	[dreg:$0x2] =	wrdreg s24  }
0xb5: {  	[dreg:$0x3] =	wrdreg s15  }
0xb6: {  	[dreg:$0x4] =	wrdreg s16  }
0xb7: {  	[dreg:$0x5] =	wrdreg s17  }
0xb8: {  	[dreg:$0x6] =	wrdreg $0x9  }
0xb9: {  	_ =	task.clear_ibuf [dreg:s9], $0x7FFFF;
	_ =	strace $0x90000046  }
0xba: {  	s29 =	simm.s32 $0x9;
	_ =	strace $0x80000048  }
0xbb: {  	_ =	swait.ge [sflag:s29], $0x1  }
0xbc: {  	[sflag:s29] =	ssyncadd.s32 $0xFFFFFFFF  }
0xbd: {  	_ =	strace $0x90000048  }
0xbe: {  	_ =	sfence  }
0xbf: {  	s30 =	sld [smem:$0x0];
	_ =	sdelay $0x2  }
0xc0: {  	s31 =	sshll.u32 s1, $0xD;
	s1 =	sshrl.u32 s1, $0x2  }
0xc1: {  	s3 =	sand.u32 $0x4000, s31;
	s1 =	sadd.s32 s1, s30  }
0xc2: {  	s0 =	sor.u32 s3, s0;
	s1 =	sshll.u32 s1, $0x11  }
0xc3: {  	s0 =	sor.u32 s1, s0  }
0xc4: {  	s0 =	sadd.s32 $0x8F2B, s0  }
0xc5: {  	[sflag:s0] =	ssyncadd.remote.s32 $0x1  }
0xc6: {  	_ =	sfence.sel $0xFFFF  }
0xc7: {  	[dreg:$0x0] =	wrdreg $0xFFFFFFFF;
	(pc) =	sbr.abs _section_cstart, $3  }
0xc8: {  	[dreg:$0x1] =	wrdreg $0xFFFFFFFF  }
0xc9: {  	_ =	task.clear_ibuf [dreg:s9], $0x2FFFF;
	_ =	strace $0x9FFFFFFF  }
0xca: {  	(tm) =	ssettm $0x7FFFFFFF  }
0xcb: {  	_ =	shalt  }
tec
execute0_lowered:
.L_overlay_start_1:
0x0: {  	(tag) =	ssettag $0x1  }
0x1: {  	s0 =	rddreg [dreg:$0x0]  }
0x2: {  	s1 =	rddreg [dreg:$0x1]  }
0x3: {  	s11 =	rddreg [dreg:$0x2]  }
0x4: {  	s12 =	rddreg [dreg:$0x3];
	s4 =	srdreg.scid  }
0x5: {  	s3 =	simm.s32 $0x0;
	s2 =	stileid.u32;
	s16 =	simm.s32 $0x880  }
0x6: {  	s17 =	simm.s32 $0x1080;
	s18 =	simm.s32 $0x1880;
	s28 =	simm.s32 $0x6080  }
0x7: {  	s29 =	simm.s32 $0x6880;
	s30 =	simm.s32 $0x7080;
	s31 =	simm.s32 $0x7880  }
0x8: {  	s4 =	sand.u32 $0x1, s4;
	[smem:$0x7FF] =	sst s3;
	s5 =	sshll.u32 s2, $0xA  }
0x9: {  	s0 =	sadd.s32 $0x200, s0;
	s6 =	sshll.u32 s4, $0x9;
	s4 =	ssub.s32 $0x2, s4  }
0xa: {  	_ =	strace $0x80000047;
	s7 =	sor.u32 s6, s5;
	s19 =	sshrl.u32 s4, $0x1  }
0xb: {  	s6 =	sshrl.u32 s7, $0x3;
	s13 =	ssub.s32 s4, s19;
	s21 =	sshll.u32 s7, $0x5  }
0xc: {  	s23 =	sor.u32 $0x80, s7;
	s8 =	sor.u32 $0x100, s7;
	s14 =	sor.u32 $0x180, s7  }
0xd: {  	s19 =	simm.s32 $0x2080;
	s20 =	sadd.s32 s0, s6;
	s22 =	sadd.s32 s11, s21  }
0xe: {  	s24 =	sadd.s32 s12, s21;
	s25 =	sshrl.u32 s23, $0x3;
	s6 =	sshll.u32 s23, $0x5  }
0xf: {  	s9 =	sshrl.u32 s8, $0x3;
	s10 =	sshll.u32 s8, $0x5;
	s15 =	sshrl.u32 s14, $0x3  }
0x10: {  	s26 =	sshll.u32 s14, $0x5;
	s13 =	smax.u32 s13, $0x1;
	[dreg:$0x5] =	wrdreg s20  }
0x11: {  	s14 =	simm.s32 $0x2;
	s21 =	simm.s32 $0x3080;
	[dreg:$0x6] =	wrdreg s22  }
0x12: {  	s23 =	simm.s32 $0x4080;
	[dreg:$0x7] =	wrdreg s24;
	s4 =	sadd.s32 s0, s25  }
0x13: {  	s5 =	sadd.s32 s11, s6;
	s6 =	sadd.s32 s12, s6;
	s7 =	sadd.s32 s0, s9  }
0x14: {  	s8 =	sadd.s32 s11, s10;
	s9 =	sadd.s32 s12, s10;
	s10 =	sadd.s32 s0, s15  }
0x15: {  	v2 =	vlaneseq.u32;
	s11 =	sadd.s32 s11, s26;
	s12 =	sadd.s32 s12, s26;
	s15 =	simm.s32 $0x80  }
0x16: {  	vm0 =	vmmov $0xffff;
	v1 =	vshrl.u32 v2, $0x3;
	s20 =	simm.s32 $0x2880;
	s22 =	simm.s32 $0x3880;
	s24 =	simm.s32 $0x4880  }
0x17: {  	v0 =	vand.u32 $0x7, v2;
	v2 =	vor.u32 $0x8, v2;
	v1 =	vmul.u32 $0x8, v1;
	s25 =	simm.s32 $0x5080;
	s26 =	simm.s32 $0x5880;
	s0 =	simm.s32 $0x1  }
.LBB2_1:
0x18: {  	s2 =	rddreg [dreg:$0x5]  }
0x19: {  	[tilespmem:s3], [sflag:$0x2] =	stream.linear.gather [hbm4b:s2+s3], $0x80, $0x38;
	[tilespmem:$0x8080] =	vst v63  }
0x1a: {  	_ =	swait.ge [sflag:s14], $0x80  }
0x1b: {  	[sflag:s14] =	ssyncset.done $0x0  }
0x1c: {  	[sflag:s14] =	ssyncadd.s32 $0xFFFFFF80  }
0x1d: {  	v3 =	vld [tilespmem:$0x0];
	_ =	sdelay $0x4  }
0x1e: {  	v4 =	vshll.u32 v3, $0x1  }
0x1f: {  	v3 =	vand.u32 $0x7, v3;
	v4 =	vand.u32 $0xFFFFFFF0, v4  }
0x20: {  	v3 =	vor.u32 v3, v4  }
0x21: {  	v4 =	vperm.xlane v3, v0;
	_ =	sdelay $0x1  }
0x22: {  	v3 =	vperm.xlane v3, v2;
	v4 =	vadd.s32 v1, v4;
	_ =	sdelay $0x1  }
0x23: {  	v3 =	vadd.s32 v1, v3;
	_ =	sdelay $0x2  }
0x24: {  	[tilespmem:s15], [sflag:$0x1] =	stream.indirect_vreg.gather [hbm4b:s1+s3], $0x80, v4, vm0, $0xb8;
	[tilespmem:$0x8080] =	vst v63  }
0x25: {  	_ = 	snop  }
0x26: {  	[tilespmem:s16], [sflag:$0x1] =	stream.indirect_vreg.gather [hbm4b:s1+s3], $0x80, v3, vm0, $0xb8;
	[tilespmem:$0x8080] =	vst v63  }
0x27: {  	v3 =	vld [tilespmem:$0x10];
	_ =	sdelay $0x4  }
0x28: {  	v33 =	vshll.u32 v3, $0x1  }
0x29: {  	v3 =	vand.u32 $0x7, v3;
	v4 =	vand.u32 $0xFFFFFFF0, v33  }
0x2a: {  	v3 =	vor.u32 v3, v4  }
0x2b: {  	v4 =	vperm.xlane v3, v0;
	_ =	sdelay $0x1  }
0x2c: {  	v3 =	vperm.xlane v3, v2;
	v4 =	vadd.s32 v1, v4;
	_ =	sdelay $0x1  }
0x2d: {  	v3 =	vadd.s32 v1, v3;
	_ =	sdelay $0x2  }
0x2e: {  	[tilespmem:s17], [sflag:$0x1] =	stream.indirect_vreg.gather [hbm4b:s1+s3], $0x80, v4, vm0, $0xb8;
	[tilespmem:$0x8080] =	vst v63  }
0x2f: {  	_ = 	snop  }
0x30: {  	[tilespmem:s18], [sflag:$0x1] =	stream.indirect_vreg.gather [hbm4b:s1+s3], $0x80, v3, vm0, $0xb8;
	[tilespmem:$0x8080] =	vst v63  }
0x31: {  	v3 =	vld [tilespmem:$0x20];
	_ =	sdelay $0x4  }
0x32: {  	v34 =	vshll.u32 v3, $0x1  }
0x33: {  	v3 =	vand.u32 $0x7, v3;
	v4 =	vand.u32 $0xFFFFFFF0, v34  }
0x34: {  	v3 =	vor.u32 v3, v4  }
0x35: {  	v4 =	vperm.xlane v3, v0;
	_ =	sdelay $0x1  }
0x36: {  	v3 =	vperm.xlane v3, v2;
	v4 =	vadd.s32 v1, v4;
	_ =	sdelay $0x1  }
0x37: {  	v3 =	vadd.s32 v1, v3;
	_ =	sdelay $0x2  }
0x38: {  	[tilespmem:s19], [sflag:$0x1] =	stream.indirect_vreg.gather [hbm4b:s1+s3], $0x80, v4, vm0, $0xb8;
	[tilespmem:$0x8080] =	vst v63  }
0x39: {  	_ = 	snop  }
0x3a: {  	[tilespmem:s20], [sflag:$0x1] =	stream.indirect_vreg.gather [hbm4b:s1+s3], $0x80, v3, vm0, $0xb8;
	[tilespmem:$0x8080] =	vst v63  }
0x3b: {  	v3 =	vld [tilespmem:$0x30];
	_ =	sdelay $0x4  }
0x3c: {  	v35 =	vshll.u32 v3, $0x1  }
0x3d: {  	v3 =	vand.u32 $0x7, v3;
	v4 =	vand.u32 $0xFFFFFFF0, v35  }
0x3e: {  	v3 =	vor.u32 v3, v4  }
0x3f: {  	v4 =	vperm.xlane v3, v0;
	_ =	sdelay $0x1  }
0x40: {  	v3 =	vperm.xlane v3, v2;
	v4 =	vadd.s32 v1, v4;
	_ =	sdelay $0x1  }
0x41: {  	v3 =	vadd.s32 v1, v3;
	_ =	sdelay $0x2  }
0x42: {  	[tilespmem:s21], [sflag:$0x1] =	stream.indirect_vreg.gather [hbm4b:s1+s3], $0x80, v4, vm0, $0xb8;
	[tilespmem:$0x8080] =	vst v63  }
0x43: {  	_ = 	snop  }
0x44: {  	[tilespmem:s22], [sflag:$0x1] =	stream.indirect_vreg.gather [hbm4b:s1+s3], $0x80, v3, vm0, $0xb8;
	[tilespmem:$0x8080] =	vst v63  }
0x45: {  	v3 =	vld [tilespmem:$0x40];
	_ =	sdelay $0x4  }
0x46: {  	v36 =	vshll.u32 v3, $0x1  }
0x47: {  	v3 =	vand.u32 $0x7, v3;
	v4 =	vand.u32 $0xFFFFFFF0, v36  }
0x48: {  	v3 =	vor.u32 v3, v4  }
0x49: {  	v4 =	vperm.xlane v3, v0;
	_ =	sdelay $0x1  }
0x4a: {  	v3 =	vperm.xlane v3, v2;
	v4 =	vadd.s32 v1, v4;
	_ =	sdelay $0x1  }
0x4b: {  	v3 =	vadd.s32 v1, v3;
	_ =	sdelay $0x2  }
0x4c: {  	[tilespmem:s23], [sflag:$0x1] =	stream.indirect_vreg.gather [hbm4b:s1+s3], $0x80, v4, vm0, $0xb8;
	[tilespmem:$0x8080] =	vst v63  }
0x4d: {  	_ = 	snop  }
0x4e: {  	[tilespmem:s24], [sflag:$0x1] =	stream.indirect_vreg.gather [hbm4b:s1+s3], $0x80, v3, vm0, $0xb8;
	[tilespmem:$0x8080] =	vst v63  }
0x4f: {  	v3 =	vld [tilespmem:$0x50];
	_ =	sdelay $0x4  }
0x50: {  	v37 =	vshll.u32 v3, $0x1  }
0x51: {  	v3 =	vand.u32 $0x7, v3;
	v4 =	vand.u32 $0xFFFFFFF0, v37  }
0x52: {  	v3 =	vor.u32 v3, v4  }
0x53: {  	v4 =	vperm.xlane v3, v0;
	_ =	sdelay $0x1  }
0x54: {  	v3 =	vperm.xlane v3, v2;
	v4 =	vadd.s32 v1, v4;
	_ =	sdelay $0x1  }
0x55: {  	v3 =	vadd.s32 v1, v3;
	_ =	sdelay $0x2  }
0x56: {  	[tilespmem:s25], [sflag:$0x1] =	stream.indirect_vreg.gather [hbm4b:s1+s3], $0x80, v4, vm0, $0xb8;
	[tilespmem:$0x8080] =	vst v63  }
0x57: {  	_ = 	snop  }
0x58: {  	[tilespmem:s26], [sflag:$0x1] =	stream.indirect_vreg.gather [hbm4b:s1+s3], $0x80, v3, vm0, $0xb8;
	[tilespmem:$0x8080] =	vst v63  }
0x59: {  	v3 =	vld [tilespmem:$0x60];
	_ =	sdelay $0x4  }
0x5a: {  	v38 =	vshll.u32 v3, $0x1  }
0x5b: {  	v3 =	vand.u32 $0x7, v3;
	v4 =	vand.u32 $0xFFFFFFF0, v38  }
0x5c: {  	v3 =	vor.u32 v3, v4  }
0x5d: {  	v4 =	vperm.xlane v3, v0;
	_ =	sdelay $0x1  }
0x5e: {  	v3 =	vperm.xlane v3, v2;
	v4 =	vadd.s32 v1, v4;
	_ =	sdelay $0x1  }
0x5f: {  	v3 =	vadd.s32 v1, v3;
	_ =	sdelay $0x2  }
0x60: {  	[tilespmem:s28], [sflag:$0x1] =	stream.indirect_vreg.gather [hbm4b:s1+s3], $0x80, v4, vm0, $0xb8;
	[tilespmem:$0x8080] =	vst v63  }
0x61: {  	_ = 	snop  }
0x62: {  	[tilespmem:s29], [sflag:$0x1] =	stream.indirect_vreg.gather [hbm4b:s1+s3], $0x80, v3, vm0, $0xb8;
	[tilespmem:$0x8080] =	vst v63  }
0x63: {  	v3 =	vld [tilespmem:$0x70];
	_ =	sdelay $0x4  }
0x64: {  	v39 =	vshll.u32 v3, $0x1  }
0x65: {  	v3 =	vand.u32 $0x7, v3;
	v4 =	vand.u32 $0xFFFFFFF0, v39  }
0x66: {  	v3 =	vor.u32 v3, v4  }
0x67: {  	v4 =	vperm.xlane v3, v0;
	_ =	sdelay $0x1  }
0x68: {  	v3 =	vperm.xlane v3, v2;
	v4 =	vadd.s32 v1, v4;
	_ =	sdelay $0x1  }
0x69: {  	v3 =	vadd.s32 v1, v3;
	_ =	sdelay $0x2  }
0x6a: {  	[tilespmem:s30], [sflag:$0x1] =	stream.indirect_vreg.gather [hbm4b:s1+s3], $0x80, v4, vm0, $0xb8;
	[tilespmem:$0x8080] =	vst v63  }
0x6b: {  	_ = 	snop  }
0x6c: {  	[tilespmem:s31], [sflag:$0x1] =	stream.indirect_vreg.gather [hbm4b:s1+s3], $0x80, v3, vm0, $0xb8;
	[tilespmem:$0x8080] =	vst v63  }
0x6d: {  	_ =	swait.ge [sflag:s0], $0x8000  }
0x6e: {  	[sflag:s0] =	ssyncset.done $0x0  }
0x6f: {  	s2 =	rddreg [dreg:$0x6];
	[sflag:s0] =	ssyncadd.s32 $0xFFFF8000  }
0x70: {  	[hbm4b:s2+s3] =	stream.linear.scatter [tilespmem:s15], [sflag:$0x2], $0x8000, $0x38;
	[tilespmem:$0x8080] =	vst v63  }
0x71: {  	_ =	swait.ge [sflag:s14], $0x8000  }
0x72: {  	[sflag:s14] =	ssyncset.done $0x0  }
0x73: {  	s2 =	rddreg [dreg:$0x7];
	[sflag:s14] =	ssyncadd.s32 $0xFFFF8000  }
0x74: {  	[hbm4b:s2+s3] =	stream.linear.scatter [tilespmem:s15], [sflag:$0x2], $0x8000, $0x38;
	[tilespmem:$0x8080] =	vst v63  }
0x75: {  	_ =	swait.ge [sflag:s14], $0x8000  }
0x76: {  	[sflag:s14] =	ssyncset.done $0x0  }
0x77: {  	[sflag:s14] =	ssyncadd.s32 $0xFFFF8000  }
0x78: {  	[tilespmem:s3], [sflag:$0x2] =	stream.linear.gather [hbm4b:s4+s3], $0x80, $0x38;
	[tilespmem:$0x8080] =	vst v63  }
0x79: {  	_ =	swait.ge [sflag:s14], $0x80  }
0x7a: {  	[sflag:s14] =	ssyncset.done $0x0  }
0x7b: {  	[sflag:s14] =	ssyncadd.s32 $0xFFFFFF80  }
0x7c: {  	v3 =	vld [tilespmem:$0x0];
	_ =	sdelay $0x4  }
0x7d: {  	v40 =	vshll.u32 v3, $0x1  }
0x7e: {  	v3 =	vand.u32 $0x7, v3;
	v4 =	vand.u32 $0xFFFFFFF0, v40  }
0x7f: {  	v3 =	vor.u32 v3, v4  }
0x80: {  	v4 =	vperm.xlane v3, v0;
	_ =	sdelay $0x1  }
0x81: {  	v3 =	vperm.xlane v3, v2;
	v4 =	vadd.s32 v1, v4;
	_ =	sdelay $0x1  }
0x82: {  	v3 =	vadd.s32 v1, v3;
	_ =	sdelay $0x2  }
0x83: {  	[tilespmem:s15], [sflag:$0x1] =	stream.indirect_vreg.gather [hbm4b:s1+s3], $0x80, v4, vm0, $0xb8;
	[tilespmem:$0x8080] =	vst v63  }
0x84: {  	_ = 	snop  }
0x85: {  	[tilespmem:s16], [sflag:$0x1] =	stream.indirect_vreg.gather [hbm4b:s1+s3], $0x80, v3, vm0, $0xb8;
	[tilespmem:$0x8080] =	vst v63  }
0x86: {  	v3 =	vld [tilespmem:$0x10];
	_ =	sdelay $0x4  }
0x87: {  	v41 =	vshll.u32 v3, $0x1  }
0x88: {  	v3 =	vand.u32 $0x7, v3;
	v4 =	vand.u32 $0xFFFFFFF0, v41  }
0x89: {  	v3 =	vor.u32 v3, v4  }
0x8a: {  	v4 =	vperm.xlane v3, v0;
	_ =	sdelay $0x1  }
0x8b: {  	v3 =	vperm.xlane v3, v2;
	v4 =	vadd.s32 v1, v4;
	_ =	sdelay $0x1  }
0x8c: {  	v3 =	vadd.s32 v1, v3;
	_ =	sdelay $0x2  }
0x8d: {  	[tilespmem:s17], [sflag:$0x1] =	stream.indirect_vreg.gather [hbm4b:s1+s3], $0x80, v4, vm0, $0xb8;
	[tilespmem:$0x8080] =	vst v63  }
0x8e: {  	_ = 	snop  }
0x8f: {  	[tilespmem:s18], [sflag:$0x1] =	stream.indirect_vreg.gather [hbm4b:s1+s3], $0x80, v3, vm0, $0xb8;
	[tilespmem:$0x8080] =	vst v63  }
0x90: {  	v3 =	vld [tilespmem:$0x20];
	_ =	sdelay $0x4  }
0x91: {  	v42 =	vshll.u32 v3, $0x1  }
0x92: {  	v3 =	vand.u32 $0x7, v3;
	v4 =	vand.u32 $0xFFFFFFF0, v42  }
0x93: {  	v3 =	vor.u32 v3, v4  }
0x94: {  	v4 =	vperm.xlane v3, v0;
	_ =	sdelay $0x1  }
0x95: {  	v3 =	vperm.xlane v3, v2;
	v4 =	vadd.s32 v1, v4;
	_ =	sdelay $0x1  }
0x96: {  	v3 =	vadd.s32 v1, v3;
	_ =	sdelay $0x2  }
0x97: {  	[tilespmem:s19], [sflag:$0x1] =	stream.indirect_vreg.gather [hbm4b:s1+s3], $0x80, v4, vm0, $0xb8;
	[tilespmem:$0x8080] =	vst v63  }
0x98: {  	_ = 	snop  }
0x99: {  	[tilespmem:s20], [sflag:$0x1] =	stream.indirect_vreg.gather [hbm4b:s1+s3], $0x80, v3, vm0, $0xb8;
	[tilespmem:$0x8080] =	vst v63  }
0x9a: {  	v3 =	vld [tilespmem:$0x30];
	_ =	sdelay $0x4  }
0x9b: {  	v43 =	vshll.u32 v3, $0x1  }
0x9c: {  	v3 =	vand.u32 $0x7, v3;
	v4 =	vand.u32 $0xFFFFFFF0, v43  }
0x9d: {  	v3 =	vor.u32 v3, v4  }
0x9e: {  	v4 =	vperm.xlane v3, v0;
	_ =	sdelay $0x1  }
0x9f: {  	v3 =	vperm.xlane v3, v2;
	v4 =	vadd.s32 v1, v4;
	_ =	sdelay $0x1  }
0xa0: {  	v3 =	vadd.s32 v1, v3;
	_ =	sdelay $0x2  }
0xa1: {  	[tilespmem:s21], [sflag:$0x1] =	stream.indirect_vreg.gather [hbm4b:s1+s3], $0x80, v4, vm0, $0xb8;
	[tilespmem:$0x8080] =	vst v63  }
0xa2: {  	_ = 	snop  }
0xa3: {  	[tilespmem:s22], [sflag:$0x1] =	stream.indirect_vreg.gather [hbm4b:s1+s3], $0x80, v3, vm0, $0xb8;
	[tilespmem:$0x8080] =	vst v63  }
0xa4: {  	v3 =	vld [tilespmem:$0x40];
	_ =	sdelay $0x4  }
0xa5: {  	v44 =	vshll.u32 v3, $0x1  }
0xa6: {  	v3 =	vand.u32 $0x7, v3;
	v4 =	vand.u32 $0xFFFFFFF0, v44  }
0xa7: {  	v3 =	vor.u32 v3, v4  }
0xa8: {  	v4 =	vperm.xlane v3, v0;
	_ =	sdelay $0x1  }
0xa9: {  	v3 =	vperm.xlane v3, v2;
	v4 =	vadd.s32 v1, v4;
	_ =	sdelay $0x1  }
0xaa: {  	v3 =	vadd.s32 v1, v3;
	_ =	sdelay $0x2  }
0xab: {  	[tilespmem:s23], [sflag:$0x1] =	stream.indirect_vreg.gather [hbm4b:s1+s3], $0x80, v4, vm0, $0xb8;
	[tilespmem:$0x8080] =	vst v63  }
0xac: {  	_ = 	snop  }
0xad: {  	[tilespmem:s24], [sflag:$0x1] =	stream.indirect_vreg.gather [hbm4b:s1+s3], $0x80, v3, vm0, $0xb8;
	[tilespmem:$0x8080] =	vst v63  }
0xae: {  	v3 =	vld [tilespmem:$0x50];
	_ =	sdelay $0x4  }
0xaf: {  	v45 =	vshll.u32 v3, $0x1  }
0xb0: {  	v3 =	vand.u32 $0x7, v3;
	v4 =	vand.u32 $0xFFFFFFF0, v45  }
0xb1: {  	v3 =	vor.u32 v3, v4  }
0xb2: {  	v4 =	vperm.xlane v3, v0;
	_ =	sdelay $0x1  }
0xb3: {  	v3 =	vperm.xlane v3, v2;
	v4 =	vadd.s32 v1, v4;
	_ =	sdelay $0x1  }
0xb4: {  	v3 =	vadd.s32 v1, v3;
	_ =	sdelay $0x2  }
0xb5: {  	[tilespmem:s25], [sflag:$0x1] =	stream.indirect_vreg.gather [hbm4b:s1+s3], $0x80, v4, vm0, $0xb8;
	[tilespmem:$0x8080] =	vst v63  }
0xb6: {  	_ = 	snop  }
0xb7: {  	[tilespmem:s26], [sflag:$0x1] =	stream.indirect_vreg.gather [hbm4b:s1+s3], $0x80, v3, vm0, $0xb8;
	[tilespmem:$0x8080] =	vst v63  }
0xb8: {  	v3 =	vld [tilespmem:$0x60];
	_ =	sdelay $0x4  }
0xb9: {  	v46 =	vshll.u32 v3, $0x1  }
0xba: {  	v3 =	vand.u32 $0x7, v3;
	v4 =	vand.u32 $0xFFFFFFF0, v46  }
0xbb: {  	v3 =	vor.u32 v3, v4  }
0xbc: {  	v4 =	vperm.xlane v3, v0;
	_ =	sdelay $0x1  }
0xbd: {  	v3 =	vperm.xlane v3, v2;
	v4 =	vadd.s32 v1, v4;
	_ =	sdelay $0x1  }
0xbe: {  	v3 =	vadd.s32 v1, v3;
	_ =	sdelay $0x2  }
0xbf: {  	[tilespmem:s28], [sflag:$0x1] =	stream.indirect_vreg.gather [hbm4b:s1+s3], $0x80, v4, vm0, $0xb8;
	[tilespmem:$0x8080] =	vst v63  }
0xc0: {  	_ = 	snop  }
0xc1: {  	[tilespmem:s29], [sflag:$0x1] =	stream.indirect_vreg.gather [hbm4b:s1+s3], $0x80, v3, vm0, $0xb8;
	[tilespmem:$0x8080] =	vst v63  }
0xc2: {  	v3 =	vld [tilespmem:$0x70];
	_ =	sdelay $0x4  }
0xc3: {  	v47 =	vshll.u32 v3, $0x1  }
0xc4: {  	v3 =	vand.u32 $0x7, v3;
	v4 =	vand.u32 $0xFFFFFFF0, v47  }
0xc5: {  	v3 =	vor.u32 v3, v4  }
0xc6: {  	v4 =	vperm.xlane v3, v0;
	_ =	sdelay $0x1  }
0xc7: {  	v3 =	vperm.xlane v3, v2;
	v4 =	vadd.s32 v1, v4;
	_ =	sdelay $0x1  }
0xc8: {  	v3 =	vadd.s32 v1, v3;
	_ =	sdelay $0x2  }
0xc9: {  	[tilespmem:s30], [sflag:$0x1] =	stream.indirect_vreg.gather [hbm4b:s1+s3], $0x80, v4, vm0, $0xb8;
	[tilespmem:$0x8080] =	vst v63  }
0xca: {  	_ = 	snop  }
0xcb: {  	[tilespmem:s31], [sflag:$0x1] =	stream.indirect_vreg.gather [hbm4b:s1+s3], $0x80, v3, vm0, $0xb8;
	[tilespmem:$0x8080] =	vst v63  }
0xcc: {  	_ =	swait.ge [sflag:s0], $0x8000  }
0xcd: {  	[sflag:s0] =	ssyncset.done $0x0  }
0xce: {  	[sflag:s0] =	ssyncadd.s32 $0xFFFF8000  }
0xcf: {  	[hbm4b:s5+s3] =	stream.linear.scatter [tilespmem:s15], [sflag:$0x2], $0x8000, $0x38;
	[tilespmem:$0x8080] =	vst v63  }
0xd0: {  	_ =	swait.ge [sflag:s14], $0x8000  }
0xd1: {  	[sflag:s14] =	ssyncset.done $0x0  }
0xd2: {  	[sflag:s14] =	ssyncadd.s32 $0xFFFF8000  }
0xd3: {  	[hbm4b:s6+s3] =	stream.linear.scatter [tilespmem:s15], [sflag:$0x2], $0x8000, $0x38;
	[tilespmem:$0x8080] =	vst v63  }
0xd4: {  	_ =	swait.ge [sflag:s14], $0x8000  }
0xd5: {  	[sflag:s14] =	ssyncset.done $0x0  }
0xd6: {  	[sflag:s14] =	ssyncadd.s32 $0xFFFF8000  }
0xd7: {  	[tilespmem:s3], [sflag:$0x2] =	stream.linear.gather [hbm4b:s7+s3], $0x80, $0x38;
	[tilespmem:$0x8080] =	vst v63  }
0xd8: {  	_ =	swait.ge [sflag:s14], $0x80  }
0xd9: {  	[sflag:s14] =	ssyncset.done $0x0  }
0xda: {  	[sflag:s14] =	ssyncadd.s32 $0xFFFFFF80  }
0xdb: {  	v3 =	vld [tilespmem:$0x0];
	_ =	sdelay $0x4  }
0xdc: {  	v48 =	vshll.u32 v3, $0x1  }
0xdd: {  	v3 =	vand.u32 $0x7, v3;
	v4 =	vand.u32 $0xFFFFFFF0, v48  }
0xde: {  	v3 =	vor.u32 v3, v4  }
0xdf: {  	v4 =	vperm.xlane v3, v0;
	_ =	sdelay $0x1  }
0xe0: {  	v3 =	vperm.xlane v3, v2;
	v4 =	vadd.s32 v1, v4;
	_ =	sdelay $0x1  }
0xe1: {  	v3 =	vadd.s32 v1, v3;
	_ =	sdelay $0x2  }
0xe2: {  	[tilespmem:s15], [sflag:$0x1] =	stream.indirect_vreg.gather [hbm4b:s1+s3], $0x80, v4, vm0, $0xb8;
	[tilespmem:$0x8080] =	vst v63  }
0xe3: {  	_ = 	snop  }
0xe4: {  	[tilespmem:s16], [sflag:$0x1] =	stream.indirect_vreg.gather [hbm4b:s1+s3], $0x80, v3, vm0, $0xb8;
	[tilespmem:$0x8080] =	vst v63  }
0xe5: {  	v3 =	vld [tilespmem:$0x10];
	_ =	sdelay $0x4  }
0xe6: {  	v49 =	vshll.u32 v3, $0x1  }
0xe7: {  	v3 =	vand.u32 $0x7, v3;
	v4 =	vand.u32 $0xFFFFFFF0, v49  }
0xe8: {  	v3 =	vor.u32 v3, v4  }
0xe9: {  	v4 =	vperm.xlane v3, v0;
	_ =	sdelay $0x1  }
0xea: {  	v3 =	vperm.xlane v3, v2;
	v4 =	vadd.s32 v1, v4;
	_ =	sdelay $0x1  }
0xeb: {  	v3 =	vadd.s32 v1, v3;
	_ =	sdelay $0x2  }
0xec: {  	[tilespmem:s17], [sflag:$0x1] =	stream.indirect_vreg.gather [hbm4b:s1+s3], $0x80, v4, vm0, $0xb8;
	[tilespmem:$0x8080] =	vst v63  }
0xed: {  	_ = 	snop  }
0xee: {  	[tilespmem:s18], [sflag:$0x1] =	stream.indirect_vreg.gather [hbm4b:s1+s3], $0x80, v3, vm0, $0xb8;
	[tilespmem:$0x8080] =	vst v63  }
0xef: {  	v3 =	vld [tilespmem:$0x20];
	_ =	sdelay $0x4  }
0xf0: {  	v50 =	vshll.u32 v3, $0x1  }
0xf1: {  	v3 =	vand.u32 $0x7, v3;
	v4 =	vand.u32 $0xFFFFFFF0, v50  }
0xf2: {  	v3 =	vor.u32 v3, v4  }
0xf3: {  	v4 =	vperm.xlane v3, v0;
	_ =	sdelay $0x1  }
0xf4: {  	v3 =	vperm.xlane v3, v2;
	v4 =	vadd.s32 v1, v4;
	_ =	sdelay $0x1  }
0xf5: {  	v3 =	vadd.s32 v1, v3;
	_ =	sdelay $0x2  }
0xf6: {  	[tilespmem:s19], [sflag:$0x1] =	stream.indirect_vreg.gather [hbm4b:s1+s3], $0x80, v4, vm0, $0xb8;
	[tilespmem:$0x8080] =	vst v63  }
0xf7: {  	_ = 	snop  }
0xf8: {  	[tilespmem:s20], [sflag:$0x1] =	stream.indirect_vreg.gather [hbm4b:s1+s3], $0x80, v3, vm0, $0xb8;
	[tilespmem:$0x8080] =	vst v63  }
0xf9: {  	v3 =	vld [tilespmem:$0x30];
	_ =	sdelay $0x4  }
0xfa: {  	v51 =	vshll.u32 v3, $0x1  }
0xfb: {  	v3 =	vand.u32 $0x7, v3;
	v4 =	vand.u32 $0xFFFFFFF0, v51  }
0xfc: {  	v3 =	vor.u32 v3, v4  }
0xfd: {  	v4 =	vperm.xlane v3, v0;
	_ =	sdelay $0x1  }
0xfe: {  	v3 =	vperm.xlane v3, v2;
	v4 =	vadd.s32 v1, v4;
	_ =	sdelay $0x1  }
0xff: {  	v3 =	vadd.s32 v1, v3;
	_ =	sdelay $0x2  }
0x100: {  	[tilespmem:s21], [sflag:$0x1] =	stream.indirect_vreg.gather [hbm4b:s1+s3], $0x80, v4, vm0, $0xb8;
	[tilespmem:$0x8080] =	vst v63  }
0x101: {  	_ = 	snop  }
0x102: {  	[tilespmem:s22], [sflag:$0x1] =	stream.indirect_vreg.gather [hbm4b:s1+s3], $0x80, v3, vm0, $0xb8;
	[tilespmem:$0x8080] =	vst v63  }
0x103: {  	v3 =	vld [tilespmem:$0x40];
	_ =	sdelay $0x4  }
0x104: {  	v52 =	vshll.u32 v3, $0x1  }
0x105: {  	v3 =	vand.u32 $0x7, v3;
	v4 =	vand.u32 $0xFFFFFFF0, v52  }
0x106: {  	v3 =	vor.u32 v3, v4  }
0x107: {  	v4 =	vperm.xlane v3, v0;
	_ =	sdelay $0x1  }
0x108: {  	v3 =	vperm.xlane v3, v2;
	v4 =	vadd.s32 v1, v4;
	_ =	sdelay $0x1  }
0x109: {  	v3 =	vadd.s32 v1, v3;
	_ =	sdelay $0x2  }
0x10a: {  	[tilespmem:s23], [sflag:$0x1] =	stream.indirect_vreg.gather [hbm4b:s1+s3], $0x80, v4, vm0, $0xb8;
	[tilespmem:$0x8080] =	vst v63  }
0x10b: {  	_ = 	snop  }
0x10c: {  	[tilespmem:s24], [sflag:$0x1] =	stream.indirect_vreg.gather [hbm4b:s1+s3], $0x80, v3, vm0, $0xb8;
	[tilespmem:$0x8080] =	vst v63  }
0x10d: {  	v3 =	vld [tilespmem:$0x50];
	_ =	sdelay $0x4  }
0x10e: {  	v53 =	vshll.u32 v3, $0x1  }
0x10f: {  	v3 =	vand.u32 $0x7, v3;
	v4 =	vand.u32 $0xFFFFFFF0, v53  }
0x110: {  	v3 =	vor.u32 v3, v4  }
0x111: {  	v4 =	vperm.xlane v3, v0;
	_ =	sdelay $0x1  }
0x112: {  	v3 =	vperm.xlane v3, v2;
	v4 =	vadd.s32 v1, v4;
	_ =	sdelay $0x1  }
0x113: {  	v3 =	vadd.s32 v1, v3;
	_ =	sdelay $0x2  }
0x114: {  	[tilespmem:s25], [sflag:$0x1] =	stream.indirect_vreg.gather [hbm4b:s1+s3], $0x80, v4, vm0, $0xb8;
	[tilespmem:$0x8080] =	vst v63  }
0x115: {  	_ = 	snop  }
0x116: {  	[tilespmem:s26], [sflag:$0x1] =	stream.indirect_vreg.gather [hbm4b:s1+s3], $0x80, v3, vm0, $0xb8;
	[tilespmem:$0x8080] =	vst v63  }
0x117: {  	v3 =	vld [tilespmem:$0x60];
	_ =	sdelay $0x4  }
0x118: {  	v54 =	vshll.u32 v3, $0x1  }
0x119: {  	v3 =	vand.u32 $0x7, v3;
	v4 =	vand.u32 $0xFFFFFFF0, v54  }
0x11a: {  	v3 =	vor.u32 v3, v4  }
0x11b: {  	v4 =	vperm.xlane v3, v0;
	_ =	sdelay $0x1  }
0x11c: {  	v3 =	vperm.xlane v3, v2;
	v4 =	vadd.s32 v1, v4;
	_ =	sdelay $0x1  }
0x11d: {  	v3 =	vadd.s32 v1, v3;
	_ =	sdelay $0x2  }
0x11e: {  	[tilespmem:s28], [sflag:$0x1] =	stream.indirect_vreg.gather [hbm4b:s1+s3], $0x80, v4, vm0, $0xb8;
	[tilespmem:$0x8080] =	vst v63  }
0x11f: {  	_ = 	snop  }
0x120: {  	[tilespmem:s29], [sflag:$0x1] =	stream.indirect_vreg.gather [hbm4b:s1+s3], $0x80, v3, vm0, $0xb8;
	[tilespmem:$0x8080] =	vst v63  }
0x121: {  	v3 =	vld [tilespmem:$0x70];
	_ =	sdelay $0x4  }
0x122: {  	v55 =	vshll.u32 v3, $0x1  }
0x123: {  	v3 =	vand.u32 $0x7, v3;
	v4 =	vand.u32 $0xFFFFFFF0, v55  }
0x124: {  	v3 =	vor.u32 v3, v4  }
0x125: {  	v4 =	vperm.xlane v3, v0;
	_ =	sdelay $0x1  }
0x126: {  	v3 =	vperm.xlane v3, v2;
	v4 =	vadd.s32 v1, v4;
	_ =	sdelay $0x1  }
0x127: {  	v3 =	vadd.s32 v1, v3;
	_ =	sdelay $0x2  }
0x128: {  	[tilespmem:s30], [sflag:$0x1] =	stream.indirect_vreg.gather [hbm4b:s1+s3], $0x80, v4, vm0, $0xb8;
	[tilespmem:$0x8080] =	vst v63  }
0x129: {  	_ = 	snop  }
0x12a: {  	[tilespmem:s31], [sflag:$0x1] =	stream.indirect_vreg.gather [hbm4b:s1+s3], $0x80, v3, vm0, $0xb8;
	[tilespmem:$0x8080] =	vst v63  }
0x12b: {  	_ =	swait.ge [sflag:s0], $0x8000  }
0x12c: {  	[sflag:s0] =	ssyncset.done $0x0  }
0x12d: {  	[sflag:s0] =	ssyncadd.s32 $0xFFFF8000  }
0x12e: {  	[hbm4b:s8+s3] =	stream.linear.scatter [tilespmem:s15], [sflag:$0x2], $0x8000, $0x38;
	[tilespmem:$0x8080] =	vst v63  }
0x12f: {  	_ =	swait.ge [sflag:s14], $0x8000  }
0x130: {  	[sflag:s14] =	ssyncset.done $0x0  }
0x131: {  	[sflag:s14] =	ssyncadd.s32 $0xFFFF8000  }
0x132: {  	[hbm4b:s9+s3] =	stream.linear.scatter [tilespmem:s15], [sflag:$0x2], $0x8000, $0x38;
	[tilespmem:$0x8080] =	vst v63  }
0x133: {  	_ =	swait.ge [sflag:s14], $0x8000  }
0x134: {  	[sflag:s14] =	ssyncset.done $0x0  }
0x135: {  	[sflag:s14] =	ssyncadd.s32 $0xFFFF8000  }
0x136: {  	[tilespmem:s3], [sflag:$0x2] =	stream.linear.gather [hbm4b:s10+s3], $0x80, $0x38;
	[tilespmem:$0x8080] =	vst v63  }
0x137: {  	_ =	swait.ge [sflag:s14], $0x80  }
0x138: {  	[sflag:s14] =	ssyncset.done $0x0  }
0x139: {  	[sflag:s14] =	ssyncadd.s32 $0xFFFFFF80  }
0x13a: {  	v3 =	vld [tilespmem:$0x0];
	_ =	sdelay $0x4  }
0x13b: {  	v56 =	vshll.u32 v3, $0x1  }
0x13c: {  	v3 =	vand.u32 $0x7, v3;
	v4 =	vand.u32 $0xFFFFFFF0, v56  }
0x13d: {  	v3 =	vor.u32 v3, v4  }
0x13e: {  	v4 =	vperm.xlane v3, v0;
	_ =	sdelay $0x1  }
0x13f: {  	v3 =	vperm.xlane v3, v2;
	v4 =	vadd.s32 v1, v4;
	_ =	sdelay $0x1  }
0x140: {  	v3 =	vadd.s32 v1, v3;
	_ =	sdelay $0x2  }
0x141: {  	[tilespmem:s15], [sflag:$0x1] =	stream.indirect_vreg.gather [hbm4b:s1+s3], $0x80, v4, vm0, $0xb8;
	[tilespmem:$0x8080] =	vst v63  }
0x142: {  	_ = 	snop  }
0x143: {  	[tilespmem:s16], [sflag:$0x1] =	stream.indirect_vreg.gather [hbm4b:s1+s3], $0x80, v3, vm0, $0xb8;
	[tilespmem:$0x8080] =	vst v63  }
0x144: {  	v3 =	vld [tilespmem:$0x10];
	_ =	sdelay $0x4  }
0x145: {  	v57 =	vshll.u32 v3, $0x1  }
0x146: {  	v3 =	vand.u32 $0x7, v3;
	v4 =	vand.u32 $0xFFFFFFF0, v57  }
0x147: {  	v3 =	vor.u32 v3, v4  }
0x148: {  	v4 =	vperm.xlane v3, v0;
	_ =	sdelay $0x1  }
0x149: {  	v3 =	vperm.xlane v3, v2;
	v4 =	vadd.s32 v1, v4;
	_ =	sdelay $0x1  }
0x14a: {  	v3 =	vadd.s32 v1, v3;
	_ =	sdelay $0x2  }
0x14b: {  	[tilespmem:s17], [sflag:$0x1] =	stream.indirect_vreg.gather [hbm4b:s1+s3], $0x80, v4, vm0, $0xb8;
	[tilespmem:$0x8080] =	vst v63  }
0x14c: {  	_ = 	snop  }
0x14d: {  	[tilespmem:s18], [sflag:$0x1] =	stream.indirect_vreg.gather [hbm4b:s1+s3], $0x80, v3, vm0, $0xb8;
	[tilespmem:$0x8080] =	vst v63  }
0x14e: {  	v3 =	vld [tilespmem:$0x20];
	_ =	sdelay $0x4  }
0x14f: {  	v58 =	vshll.u32 v3, $0x1  }
0x150: {  	v3 =	vand.u32 $0x7, v3;
	v4 =	vand.u32 $0xFFFFFFF0, v58  }
0x151: {  	v3 =	vor.u32 v3, v4  }
0x152: {  	v4 =	vperm.xlane v3, v0;
	_ =	sdelay $0x1  }
0x153: {  	v3 =	vperm.xlane v3, v2;
	v4 =	vadd.s32 v1, v4;
	_ =	sdelay $0x1  }
0x154: {  	v3 =	vadd.s32 v1, v3;
	_ =	sdelay $0x2  }
0x155: {  	[tilespmem:s19], [sflag:$0x1] =	stream.indirect_vreg.gather [hbm4b:s1+s3], $0x80, v4, vm0, $0xb8;
	[tilespmem:$0x8080] =	vst v63  }
0x156: {  	_ = 	snop  }
0x157: {  	[tilespmem:s20], [sflag:$0x1] =	stream.indirect_vreg.gather [hbm4b:s1+s3], $0x80, v3, vm0, $0xb8;
	[tilespmem:$0x8080] =	vst v63  }
0x158: {  	v3 =	vld [tilespmem:$0x30];
	_ =	sdelay $0x4  }
0x159: {  	v59 =	vshll.u32 v3, $0x1  }
0x15a: {  	v3 =	vand.u32 $0x7, v3;
	v4 =	vand.u32 $0xFFFFFFF0, v59  }
0x15b: {  	v3 =	vor.u32 v3, v4  }
0x15c: {  	v4 =	vperm.xlane v3, v0;
	_ =	sdelay $0x1  }
0x15d: {  	v3 =	vperm.xlane v3, v2;
	v4 =	vadd.s32 v1, v4;
	_ =	sdelay $0x1  }
0x15e: {  	v3 =	vadd.s32 v1, v3;
	_ =	sdelay $0x2  }
0x15f: {  	[tilespmem:s21], [sflag:$0x1] =	stream.indirect_vreg.gather [hbm4b:s1+s3], $0x80, v4, vm0, $0xb8;
	[tilespmem:$0x8080] =	vst v63  }
0x160: {  	_ = 	snop  }
0x161: {  	[tilespmem:s22], [sflag:$0x1] =	stream.indirect_vreg.gather [hbm4b:s1+s3], $0x80, v3, vm0, $0xb8;
	[tilespmem:$0x8080] =	vst v63  }
0x162: {  	v3 =	vld [tilespmem:$0x40];
	_ =	sdelay $0x4  }
0x163: {  	v60 =	vshll.u32 v3, $0x1  }
0x164: {  	v3 =	vand.u32 $0x7, v3;
	v4 =	vand.u32 $0xFFFFFFF0, v60  }
0x165: {  	v3 =	vor.u32 v3, v4  }
0x166: {  	v4 =	vperm.xlane v3, v0;
	_ =	sdelay $0x1  }
0x167: {  	v3 =	vperm.xlane v3, v2;
	v4 =	vadd.s32 v1, v4;
	_ =	sdelay $0x1  }
0x168: {  	v3 =	vadd.s32 v1, v3;
	_ =	sdelay $0x2  }
0x169: {  	[tilespmem:s23], [sflag:$0x1] =	stream.indirect_vreg.gather [hbm4b:s1+s3], $0x80, v4, vm0, $0xb8;
	[tilespmem:$0x8080] =	vst v63  }
0x16a: {  	_ = 	snop  }
0x16b: {  	[tilespmem:s24], [sflag:$0x1] =	stream.indirect_vreg.gather [hbm4b:s1+s3], $0x80, v3, vm0, $0xb8;
	[tilespmem:$0x8080] =	vst v63  }
0x16c: {  	v3 =	vld [tilespmem:$0x50];
	_ =	sdelay $0x4  }
0x16d: {  	v61 =	vshll.u32 v3, $0x1  }
0x16e: {  	v3 =	vand.u32 $0x7, v3;
	v4 =	vand.u32 $0xFFFFFFF0, v61  }
0x16f: {  	v3 =	vor.u32 v3, v4  }
0x170: {  	v4 =	vperm.xlane v3, v0;
	_ =	sdelay $0x1  }
0x171: {  	v3 =	vperm.xlane v3, v2;
	v4 =	vadd.s32 v1, v4;
	_ =	sdelay $0x1  }
0x172: {  	v3 =	vadd.s32 v1, v3;
	_ =	sdelay $0x2  }
0x173: {  	[tilespmem:s25], [sflag:$0x1] =	stream.indirect_vreg.gather [hbm4b:s1+s3], $0x80, v4, vm0, $0xb8;
	[tilespmem:$0x8080] =	vst v63  }
0x174: {  	_ = 	snop  }
0x175: {  	[tilespmem:s26], [sflag:$0x1] =	stream.indirect_vreg.gather [hbm4b:s1+s3], $0x80, v3, vm0, $0xb8;
	[tilespmem:$0x8080] =	vst v63  }
0x176: {  	v3 =	vld [tilespmem:$0x60];
	_ =	sdelay $0x4  }
0x177: {  	v62 =	vshll.u32 v3, $0x1  }
0x178: {  	v3 =	vand.u32 $0x7, v3;
	v4 =	vand.u32 $0xFFFFFFF0, v62  }
0x179: {  	v3 =	vor.u32 v3, v4  }
0x17a: {  	v4 =	vperm.xlane v3, v0;
	_ =	sdelay $0x1  }
0x17b: {  	v3 =	vperm.xlane v3, v2;
	v4 =	vadd.s32 v1, v4;
	_ =	sdelay $0x1  }
0x17c: {  	v3 =	vadd.s32 v1, v3;
	_ =	sdelay $0x2  }
0x17d: {  	[tilespmem:s28], [sflag:$0x1] =	stream.indirect_vreg.gather [hbm4b:s1+s3], $0x80, v4, vm0, $0xb8;
	[tilespmem:$0x8080] =	vst v63  }
0x17e: {  	_ = 	snop  }
0x17f: {  	[tilespmem:s29], [sflag:$0x1] =	stream.indirect_vreg.gather [hbm4b:s1+s3], $0x80, v3, vm0, $0xb8;
	[tilespmem:$0x8080] =	vst v63  }
0x180: {  	v3 =	vld [tilespmem:$0x70];
	_ =	sdelay $0x4  }
0x181: {  	v63 =	vshll.u32 v3, $0x1  }
0x182: {  	v3 =	vand.u32 $0x7, v3;
	v4 =	vand.u32 $0xFFFFFFF0, v63  }
0x183: {  	v3 =	vor.u32 v3, v4  }
0x184: {  	v4 =	vperm.xlane v3, v0;
	_ =	sdelay $0x1  }
0x185: {  	v3 =	vperm.xlane v3, v2;
	v4 =	vadd.s32 v1, v4;
	_ =	sdelay $0x1  }
0x186: {  	v3 =	vadd.s32 v1, v3;
	_ =	sdelay $0x2  }
0x187: {  	[tilespmem:s30], [sflag:$0x1] =	stream.indirect_vreg.gather [hbm4b:s1+s3], $0x80, v4, vm0, $0xb8;
	[tilespmem:$0x8080] =	vst v63  }
0x188: {  	_ = 	snop  }
0x189: {  	[tilespmem:s31], [sflag:$0x1] =	stream.indirect_vreg.gather [hbm4b:s1+s3], $0x80, v3, vm0, $0xb8;
	[tilespmem:$0x8080] =	vst v63  }
0x18a: {  	_ =	swait.ge [sflag:s0], $0x8000  }
0x18b: {  	[sflag:s0] =	ssyncset.done $0x0  }
0x18c: {  	[sflag:s0] =	ssyncadd.s32 $0xFFFF8000  }
0x18d: {  	[hbm4b:s11+s3] =	stream.linear.scatter [tilespmem:s15], [sflag:$0x2], $0x8000, $0x38;
	[tilespmem:$0x8080] =	vst v63  }
0x18e: {  	_ =	swait.ge [sflag:s14], $0x8000  }
0x18f: {  	p0 =	sne.s32 s13, $0x1;
	[sflag:s14] =	ssyncset.done $0x0  }
.Ltmp0:
0x190: {  	[sflag:s14] =	ssyncadd.s32 $0xFFFF8000;
	(pc) =	sbr.rel @p0 .LBB2_1-.Ltmp0, $4  }
0x191: {  	[hbm4b:s12+s3] =	stream.linear.scatter [tilespmem:s15], [sflag:$0x2], $0x8000, $0x38;
	[tilespmem:$0x8080] =	vst v63  }
0x192: {  	_ =	swait.ge [sflag:s14], $0x8000  }
0x193: {  	[sflag:s14] =	ssyncset.done $0x0  }
0x194: {  	s13 =	sadd.s32 $0xFFFFFFFF, s13;
	[sflag:s14] =	ssyncadd.s32 $0xFFFF8000  }
0x195: {  	_ =	sfence.sel $0x180000  }
0x196: {  	[bflag:$0x0] =	sbarrier.arrive $0xFFFF  }
0x197: {  	_ =	strace $0x90000047  }
0x198: {  	s0 =	stileid.u32;
	[bflag:$0x2] =	sbarrier.arrive $0xFFFF  }
0x199: {  	p0 =	sne.s32 s0, $0x0;
	s0 =	rddreg [dreg:$0x4]  }
0x19a: {  	s0 =	sadd.s32 @!p0 $0x100000, s0  }
0x19b: {  	[sflag:s0] =	ssyncadd.tile.s32 @!p0 $0x1;
	_ =	shalt  }
.Lfunc_end2:
_tile_overlayer_lowered:
.L_overlay_start_2:
0x19c: {  	(tag) =	ssettag $0x2  }
0x19d: {  	s0 =	rddreg [dreg:$0x0];
	s2 =	stileid.u32  }
0x19e: {  	s1 =	rddreg [dreg:$0x1];
	p0 =	sne.s32 s2, $0x0  }
0x19f: {  	s3 =	rddreg [dreg:$0x2];
	[bflag:$0x3] =	sbarrier.arrive $0xFFFF;
	s2 =	simm.s32 @!p0 $0x1C02  }
0x1a0: {  	[timem:s3], [sflag:s2] =	dma.local @!p0 [hbm:s0], s1  }
0x1a1: {  	s0 =	simm.s32 @!p0 $0x2  }
0x1a2: {  	_ =	swait.ge @!p0 [sflag:s0], s1  }
0x1a3: {  	s1 =	ssub.s32 @!p0 $0x0, s1;
	[sflag:s0] =	ssyncset.done @!p0 $0x0  }
0x1a4: {  	[sflag:s0] =	ssyncadd.s32 @!p0 s1  }
0x1a5: {  	[bflag:$0x3] =	sbarrier.arrive $0xFFFF  }
0x1a6: {  	_ =	shalt  }

</sc_bundles>
